<compile_context>
chip_gen: v7x
topology: tpu7x:2x2x1
jax: 0.10.2.dev20260603
libtpu: 0.0.44.dev20260713+nightly
codegen_flags: <defaults>
</compile_context>

<pallas_src>
import functools

import jax
import jax.numpy as jnp
from jax import lax
from jax.experimental import pallas as pl
from jax.experimental.pallas import tpu as pltpu
from jax.experimental.pallas import tpu_sc as plsc

NUM_CORES = 2
NUM_SUBCORES = 16
NUM_WORKERS = NUM_CORES * NUM_SUBCORES
BBLK = 128
PADW = 128
NBUF = 4


def _gather_kernel(b0, b1, d):
    mesh = plsc.VectorSubcoreMesh(core_axis_name="c", subcore_axis_name="s")
    assert b1 % NBUF == 0

    @functools.partial(
        pl.kernel,
        mesh=mesh,
        out_type=jax.ShapeDtypeStruct((b0, b1, PADW), jnp.float32),
        scratch_types=(
            [pltpu.VMEM((BBLK,), jnp.int32) for _ in range(NBUF)]
            + [pltpu.VMEM((BBLK, PADW), jnp.float32) for _ in range(NBUF)]
            + [pltpu.SemaphoreType.DMA for _ in range(2 * NBUF)]
        ),
        compiler_params=pltpu.CompilerParams(
            use_tc_tiling_on_sc=True, needs_layout_passes=False),
    )
    def k(xt_hbm, tab_hbm, out_hbm, *bufs):
        idx_v = bufs[0:NBUF]
        rows_v = bufs[NBUF:2 * NBUF]
        gsem = bufs[2 * NBUF:3 * NBUF]
        wsem = bufs[3 * NBUF:4 * NBUF]
        wid = lax.axis_index("s") * NUM_CORES + lax.axis_index("c")
        base = wid * BBLK

        def out_slot(s):
            return out_hbm.at[pl.ds(base, BBLK), s]

        def stage_fire(s, p):
            pltpu.sync_copy(xt_hbm.at[s, pl.ds(base, BBLK)], idx_v[p])
            pltpu.async_copy(tab_hbm.at[idx_v[p]], rows_v[p], gsem[p])

        for s in range(NBUF - 1):
            stage_fire(s, s)

        def body(si, carry):
            s0 = si * NBUF
            for k_ in range(NBUF):
                s = s0 + k_
                p = k_
                q = (k_ + NBUF - 1) % NBUF
                @pl.when(s + NBUF - 1 < b1)
                def _():
                    @pl.when(s >= 1)
                    def _():
                        pltpu.make_async_copy(
                            rows_v[q], out_slot(s), wsem[q]).wait()
                    stage_fire(s + NBUF - 1, q)

                pltpu.make_async_copy(tab_hbm.at[idx_v[p]], rows_v[p],
                                      gsem[p]).wait()
                pltpu.async_copy(rows_v[p], out_slot(s), wsem[p])
            return carry

        lax.fori_loop(0, b1 // NBUF, body, 0)
        for p in range(NBUF):
            pltpu.make_async_copy(rows_v[p], out_slot(p), wsem[p]).wait()

    return k


def kernel(x, table):
    b0, b1 = x.shape
    v, d = table.shape
    xt = x.T
    tabp = jnp.pad(table, ((0, 0), (0, PADW - d)))
    outp = _gather_kernel(b0, b1, d)(xt, tabp)
    return outp[:, :, :d]

# --- scband reference (transcript-rebuilt; emitter-appended) ---
"""Pipeline reference for scband-embedder-33827162423379 (READ-ONLY COPY).

The authoritative reference and input builder live on the scoring server;
editing this copy changes nothing except your own understanding.
"""

import jax, jax.numpy as jnp
import numpy as np

VOCAB_SIZE = 1000000
D_MODEL = 64

def setup_inputs(seed: int = 0) -> dict:
    key = jax.random.key(seed)
    k_idx, k_tab = jax.random.split(key)
    x = jax.random.randint(k_idx, (4096, 200), 0, VOCAB_SIZE, dtype=jnp.int64 if jax.config.jax_enable_x64 else jnp.int32)
    table = jax.random.normal(k_tab, (VOCAB_SIZE, D_MODEL), dtype=jnp.float32)
    return {"x": x, "table": table}

def reference(x, table):
    # nn.Embedding forward: row gather from embedding table
    return jnp.take(table, x, axis=0)

if __name__ == "__main__":
    import jax
    _d = setup_inputs()
    print(jax.jit(kernel)(*tuple(_d.values())))

</pallas_src>

<mosaic_0001>
#map = affine_map<(d0, d1) -> (0, 0)>
#map1 = affine_map<(d0, d1) -> (0, 0, 0)>
module attributes {stable_mosaic.version = 14 : i64} {
  func.func @k(%arg0: i32, %arg1: i32, %arg2: memref<200x4096xi32, #tpu.memory_space<hbm>>, %arg3: memref<1000000x128xf32, #tpu.memory_space<hbm>>, %arg4: memref<4096x200x128xf32, #tpu.memory_space<hbm>>, %arg5: memref<128xi32, #tpu.memory_space<vmem>>, %arg6: memref<128xi32, #tpu.memory_space<vmem>>, %arg7: memref<128xi32, #tpu.memory_space<vmem>>, %arg8: memref<128xi32, #tpu.memory_space<vmem>>, %arg9: memref<128x128xf32, #tpu.memory_space<vmem>>, %arg10: memref<128x128xf32, #tpu.memory_space<vmem>>, %arg11: memref<128x128xf32, #tpu.memory_space<vmem>>, %arg12: memref<128x128xf32, #tpu.memory_space<vmem>>, %arg13: memref<!tpu.dma_semaphore, #tpu.memory_space<semaphore_mem>>, %arg14: memref<!tpu.dma_semaphore, #tpu.memory_space<semaphore_mem>>, %arg15: memref<!tpu.dma_semaphore, #tpu.memory_space<semaphore_mem>>, %arg16: memref<!tpu.dma_semaphore, #tpu.memory_space<semaphore_mem>>, %arg17: memref<!tpu.dma_semaphore, #tpu.memory_space<semaphore_mem>>, %arg18: memref<!tpu.dma_semaphore, #tpu.memory_space<semaphore_mem>>, %arg19: memref<!tpu.dma_semaphore, #tpu.memory_space<semaphore_mem>>, %arg20: memref<!tpu.dma_semaphore, #tpu.memory_space<semaphore_mem>>) attributes {dimension_semantics = [#tpu.dimension_semantics<core_parallel>, #tpu.dimension_semantics<subcore_parallel>], iteration_bounds = array<i64: 2, 16>, scalar_prefetch = 0 : i64, scratch_operands = 16 : i64, tpu.core_type = #tpu.core_type<sc_vector_subcore>, window_params = [{transform_indices = #map}, {transform_indices = #map}, {transform_indices = #map1}]} {
    %mul3A = arith.constant 2 : i32
    %mul3A_0 = arith.muli %arg1, %mul3A : i32
    %add3A = arith.addi %mul3A_0, %arg0 : i32
    %mul3A_1 = arith.constant 128 : i32
    %mul3A_2 = arith.muli %add3A, %mul3A_1 : i32
    %run_scoped3A = arith.constant 0 : i32
    "tpu.region"() ({
      %run_scoped3A_45 = tpu.sem_alloc : memref<!tpu.dma_semaphore, #tpu.memory_space<semaphore_mem>>
      %dma_start3A_46 = tpu.memref_slice %arg2[%run_scoped3A, %mul3A_2] : memref<200x4096xi32, #tpu.memory_space<hbm>> -> memref<1x128xi32, #tpu.memory_space<hbm>>
      %dma_start3A_47 = tpu.memref_squeeze %dma_start3A_46 : memref<1x128xi32, #tpu.memory_space<hbm>> -> memref<128xi32, #tpu.memory_space<hbm>>
      %dma_start3A_48 = tpu.memref_slice %arg2[%run_scoped3A, %mul3A_2] : memref<200x4096xi32, #tpu.memory_space<hbm>> -> memref<1x128xi32, #tpu.memory_space<hbm>>
      %dma_start3A_49 = tpu.memref_squeeze %dma_start3A_48 : memref<1x128xi32, #tpu.memory_space<hbm>> -> memref<128xi32, #tpu.memory_space<hbm>>
      tpu.enqueue_dma source(%dma_start3A_49 : memref<128xi32, #tpu.memory_space<hbm>>) target(%arg5 : memref<128xi32, #tpu.memory_space<vmem>>) target_semaphore(%run_scoped3A_45 : memref<!tpu.dma_semaphore, #tpu.memory_space<semaphore_mem>>)
      %dma_wait3A_50 = tpu.memref_slice %arg2[%run_scoped3A, %mul3A_2] : memref<200x4096xi32, #tpu.memory_space<hbm>> -> memref<1x128xi32, #tpu.memory_space<hbm>>
      %dma_wait3A_51 = tpu.memref_squeeze %dma_wait3A_50 : memref<1x128xi32, #tpu.memory_space<hbm>> -> memref<128xi32, #tpu.memory_space<hbm>>
      %dma_wait3A_52 = tpu.memref_slice %arg2[%run_scoped3A, %mul3A_2] : memref<200x4096xi32, #tpu.memory_space<hbm>> -> memref<1x128xi32, #tpu.memory_space<hbm>>
      %dma_wait3A_53 = tpu.memref_squeeze %dma_wait3A_52 : memref<1x128xi32, #tpu.memory_space<hbm>> -> memref<128xi32, #tpu.memory_space<hbm>>
      tpu.wait_dma2 semaphore(%run_scoped3A_45 : memref<!tpu.dma_semaphore, #tpu.memory_space<semaphore_mem>>) src(%dma_wait3A_53 : memref<128xi32, #tpu.memory_space<hbm>>) dst(%arg5 : memref<128xi32, #tpu.memory_space<vmem>>)
      tpu.yield
    }) : () -> ()
    %dma_start3A = arith.constant 0 : i32
    %dma_start3A_3 = arith.constant 0 : i32
    %dma_start3A_4 = tpu.memref_slice %arg3[%dma_start3A, %dma_start3A_3] : memref<1000000x128xf32, #tpu.memory_space<hbm>> -> memref<1000000x128xf32, #tpu.memory_space<hbm>>
    tpu.enqueue_indirect_dma source(%dma_start3A_4 : memref<1000000x128xf32, #tpu.memory_space<hbm>>) target(%arg9 : memref<128x128xf32, #tpu.memory_space<vmem>>) offsets(%arg5 : memref<128xi32, #tpu.memory_space<vmem>>) semaphore(%arg13 : memref<!tpu.dma_semaphore, #tpu.memory_space<semaphore_mem>>)
    %run_scoped3A_5 = arith.constant 1 : i32
    "tpu.region"() ({
      %run_scoped3A_45 = tpu.sem_alloc : memref<!tpu.dma_semaphore, #tpu.memory_space<semaphore_mem>>
      %dma_start3A_46 = tpu.memref_slice %arg2[%run_scoped3A_5, %mul3A_2] : memref<200x4096xi32, #tpu.memory_space<hbm>> -> memref<1x128xi32, #tpu.memory_space<hbm>>
      %dma_start3A_47 = tpu.memref_squeeze %dma_start3A_46 : memref<1x128xi32, #tpu.memory_space<hbm>> -> memref<128xi32, #tpu.memory_space<hbm>>
      %dma_start3A_48 = tpu.memref_slice %arg2[%run_scoped3A_5, %mul3A_2] : memref<200x4096xi32, #tpu.memory_space<hbm>> -> memref<1x128xi32, #tpu.memory_space<hbm>>
      %dma_start3A_49 = tpu.memref_squeeze %dma_start3A_48 : memref<1x128xi32, #tpu.memory_space<hbm>> -> memref<128xi32, #tpu.memory_space<hbm>>
      tpu.enqueue_dma source(%dma_start3A_49 : memref<128xi32, #tpu.memory_space<hbm>>) target(%arg6 : memref<128xi32, #tpu.memory_space<vmem>>) target_semaphore(%run_scoped3A_45 : memref<!tpu.dma_semaphore, #tpu.memory_space<semaphore_mem>>)
      %dma_wait3A_50 = tpu.memref_slice %arg2[%run_scoped3A_5, %mul3A_2] : memref<200x4096xi32, #tpu.memory_space<hbm>> -> memref<1x128xi32, #tpu.memory_space<hbm>>
      %dma_wait3A_51 = tpu.memref_squeeze %dma_wait3A_50 : memref<1x128xi32, #tpu.memory_space<hbm>> -> memref<128xi32, #tpu.memory_space<hbm>>
      %dma_wait3A_52 = tpu.memref_slice %arg2[%run_scoped3A_5, %mul3A_2] : memref<200x4096xi32, #tpu.memory_space<hbm>> -> memref<1x128xi32, #tpu.memory_space<hbm>>
      %dma_wait3A_53 = tpu.memref_squeeze %dma_wait3A_52 : memref<1x128xi32, #tpu.memory_space<hbm>> -> memref<128xi32, #tpu.memory_space<hbm>>
      tpu.wait_dma2 semaphore(%run_scoped3A_45 : memref<!tpu.dma_semaphore, #tpu.memory_space<semaphore_mem>>) src(%dma_wait3A_53 : memref<128xi32, #tpu.memory_space<hbm>>) dst(%arg6 : memref<128xi32, #tpu.memory_space<vmem>>)
      tpu.yield
    }) : () -> ()
    %dma_start3A_6 = arith.constant 0 : i32
    %dma_start3A_7 = arith.constant 0 : i32
    %dma_start3A_8 = tpu.memref_slice %arg3[%dma_start3A_6, %dma_start3A_7] : memref<1000000x128xf32, #tpu.memory_space<hbm>> -> memref<1000000x128xf32, #tpu.memory_space<hbm>>
    tpu.enqueue_indirect_dma source(%dma_start3A_8 : memref<1000000x128xf32, #tpu.memory_space<hbm>>) target(%arg10 : memref<128x128xf32, #tpu.memory_space<vmem>>) offsets(%arg6 : memref<128xi32, #tpu.memory_space<vmem>>) semaphore(%arg14 : memref<!tpu.dma_semaphore, #tpu.memory_space<semaphore_mem>>)
    %run_scoped3A_9 = arith.constant 2 : i32
    "tpu.region"() ({
      %run_scoped3A_45 = tpu.sem_alloc : memref<!tpu.dma_semaphore, #tpu.memory_space<semaphore_mem>>
      %dma_start3A_46 = tpu.memref_slice %arg2[%run_scoped3A_9, %mul3A_2] : memref<200x4096xi32, #tpu.memory_space<hbm>> -> memref<1x128xi32, #tpu.memory_space<hbm>>
      %dma_start3A_47 = tpu.memref_squeeze %dma_start3A_46 : memref<1x128xi32, #tpu.memory_space<hbm>> -> memref<128xi32, #tpu.memory_space<hbm>>
      %dma_start3A_48 = tpu.memref_slice %arg2[%run_scoped3A_9, %mul3A_2] : memref<200x4096xi32, #tpu.memory_space<hbm>> -> memref<1x128xi32, #tpu.memory_space<hbm>>
      %dma_start3A_49 = tpu.memref_squeeze %dma_start3A_48 : memref<1x128xi32, #tpu.memory_space<hbm>> -> memref<128xi32, #tpu.memory_space<hbm>>
      tpu.enqueue_dma source(%dma_start3A_49 : memref<128xi32, #tpu.memory_space<hbm>>) target(%arg7 : memref<128xi32, #tpu.memory_space<vmem>>) target_semaphore(%run_scoped3A_45 : memref<!tpu.dma_semaphore, #tpu.memory_space<semaphore_mem>>)
      %dma_wait3A_50 = tpu.memref_slice %arg2[%run_scoped3A_9, %mul3A_2] : memref<200x4096xi32, #tpu.memory_space<hbm>> -> memref<1x128xi32, #tpu.memory_space<hbm>>
      %dma_wait3A_51 = tpu.memref_squeeze %dma_wait3A_50 : memref<1x128xi32, #tpu.memory_space<hbm>> -> memref<128xi32, #tpu.memory_space<hbm>>
      %dma_wait3A_52 = tpu.memref_slice %arg2[%run_scoped3A_9, %mul3A_2] : memref<200x4096xi32, #tpu.memory_space<hbm>> -> memref<1x128xi32, #tpu.memory_space<hbm>>
      %dma_wait3A_53 = tpu.memref_squeeze %dma_wait3A_52 : memref<1x128xi32, #tpu.memory_space<hbm>> -> memref<128xi32, #tpu.memory_space<hbm>>
      tpu.wait_dma2 semaphore(%run_scoped3A_45 : memref<!tpu.dma_semaphore, #tpu.memory_space<semaphore_mem>>) src(%dma_wait3A_53 : memref<128xi32, #tpu.memory_space<hbm>>) dst(%arg7 : memref<128xi32, #tpu.memory_space<vmem>>)
      tpu.yield
    }) : () -> ()
    %dma_start3A_10 = arith.constant 0 : i32
    %dma_start3A_11 = arith.constant 0 : i32
    %dma_start3A_12 = tpu.memref_slice %arg3[%dma_start3A_10, %dma_start3A_11] : memref<1000000x128xf32, #tpu.memory_space<hbm>> -> memref<1000000x128xf32, #tpu.memory_space<hbm>>
    tpu.enqueue_indirect_dma source(%dma_start3A_12 : memref<1000000x128xf32, #tpu.memory_space<hbm>>) target(%arg11 : memref<128x128xf32, #tpu.memory_space<vmem>>) offsets(%arg7 : memref<128xi32, #tpu.memory_space<vmem>>) semaphore(%arg15 : memref<!tpu.dma_semaphore, #tpu.memory_space<semaphore_mem>>)
    %scan3A = arith.constant 0 : i32
    %scan3A_13 = arith.constant 0 : i32
    %scan3A_14 = arith.constant 50 : i32
    %scan3A_15 = arith.addi %scan3A_13, %scan3A_14 : i32
    %scan3A_16 = arith.constant 1 : i32
    scf.for %scan3A_45 = %scan3A_13 to %scan3A_15 step %scan3A_16  : i32 {
      %mul3A_46 = arith.constant 4 : i32
      %mul3A_47 = arith.muli %scan3A_45, %mul3A_46 : i32
      %add3A_48 = arith.constant 0 : i32
      %add3A_49 = arith.addi %mul3A_47, %add3A_48 : i32
      %add3A_50 = arith.constant 4 : i32
      %add3A_51 = arith.addi %add3A_49, %add3A_50 : i32
      %sub3A = arith.constant 1 : i32
      %sub3A_52 = arith.subi %add3A_51, %sub3A : i32
      %lt3A = arith.constant 200 : i32
      %lt3A_53 = arith.cmpi slt, %sub3A_52, %lt3A : i32
      %convert_element_type3A = arith.extui %lt3A_53 : i1 to i32
      %cond3A = arith.constant 0 : i32
      %cond3A_54 = arith.cmpi ne, %convert_element_type3A, %cond3A : i32
      scf.if %cond3A_54 {
        %ge3A = arith.constant 1 : i32
        %ge3A_124 = arith.cmpi sge, %add3A_49, %ge3A : i32
        %convert_element_type3A_125 = arith.extui %ge3A_124 : i1 to i32
        %cond3A_126 = arith.constant 0 : i32
        %cond3A_127 = arith.cmpi ne, %convert_element_type3A_125, %cond3A_126 : i32
        scf.if %cond3A_127 {
          %dma_wait3A_135 = arith.constant 0 : i32
          %dma_wait3A_136 = tpu.memref_slice %arg4[%mul3A_2, %add3A_49, %dma_wait3A_135] : memref<4096x200x128xf32, #tpu.memory_space<hbm>> -> memref<128x1x128xf32, #tpu.memory_space<hbm>>
          %dma_wait3A_137 = tpu.memref_squeeze %dma_wait3A_136 : memref<128x1x128xf32, #tpu.memory_space<hbm>> -> memref<128x128xf32, #tpu.memory_space<hbm>>
          %dma_wait3A_138 = arith.constant 0 : i32
          %dma_wait3A_139 = tpu.memref_slice %arg4[%mul3A_2, %add3A_49, %dma_wait3A_138] : memref<4096x200x128xf32, #tpu.memory_space<hbm>> -> memref<128x1x128xf32, #tpu.memory_space<hbm>>
          %dma_wait3A_140 = tpu.memref_squeeze %dma_wait3A_139 : memref<128x1x128xf32, #tpu.memory_space<hbm>> -> memref<128x128xf32, #tpu.memory_space<hbm>>
          tpu.wait_dma2 semaphore(%arg20 : memref<!tpu.dma_semaphore, #tpu.memory_space<semaphore_mem>>) src(%arg12 : memref<128x128xf32, #tpu.memory_space<vmem>>) dst(%dma_wait3A_140 : memref<128x128xf32, #tpu.memory_space<hbm>>)
        } else {
        }
        %add3A_128 = arith.constant 4 : i32
        %add3A_129 = arith.addi %add3A_49, %add3A_128 : i32
        %sub3A_130 = arith.constant 1 : i32
        %sub3A_131 = arith.subi %add3A_129, %sub3A_130 : i32
        "tpu.region"() ({
          %run_scoped3A_135 = tpu.sem_alloc : memref<!tpu.dma_semaphore, #tpu.memory_space<semaphore_mem>>
          %dma_start3A_136 = tpu.memref_slice %arg2[%sub3A_131, %mul3A_2] : memref<200x4096xi32, #tpu.memory_space<hbm>> -> memref<1x128xi32, #tpu.memory_space<hbm>>
          %dma_start3A_137 = tpu.memref_squeeze %dma_start3A_136 : memref<1x128xi32, #tpu.memory_space<hbm>> -> memref<128xi32, #tpu.memory_space<hbm>>
          %dma_start3A_138 = tpu.memref_slice %arg2[%sub3A_131, %mul3A_2] : memref<200x4096xi32, #tpu.memory_space<hbm>> -> memref<1x128xi32, #tpu.memory_space<hbm>>
          %dma_start3A_139 = tpu.memref_squeeze %dma_start3A_138 : memref<1x128xi32, #tpu.memory_space<hbm>> -> memref<128xi32, #tpu.memory_space<hbm>>
          tpu.enqueue_dma source(%dma_start3A_139 : memref<128xi32, #tpu.memory_space<hbm>>) target(%arg8 : memref<128xi32, #tpu.memory_space<vmem>>) target_semaphore(%run_scoped3A_135 : memref<!tpu.dma_semaphore, #tpu.memory_space<semaphore_mem>>)
          %dma_wait3A_140 = tpu.memref_slice %arg2[%sub3A_131, %mul3A_2] : memref<200x4096xi32, #tpu.memory_space<hbm>> -> memref<1x128xi32, #tpu.memory_space<hbm>>
          %dma_wait3A_141 = tpu.memref_squeeze %dma_wait3A_140 : memref<1x128xi32, #tpu.memory_space<hbm>> -> memref<128xi32, #tpu.memory_space<hbm>>
          %dma_wait3A_142 = tpu.memref_slice %arg2[%sub3A_131, %mul3A_2] : memref<200x4096xi32, #tpu.memory_space<hbm>> -> memref<1x128xi32, #tpu.memory_space<hbm>>
          %dma_wait3A_143 = tpu.memref_squeeze %dma_wait3A_142 : memref<1x128xi32, #tpu.memory_space<hbm>> -> memref<128xi32, #tpu.memory_space<hbm>>
          tpu.wait_dma2 semaphore(%run_scoped3A_135 : memref<!tpu.dma_semaphore, #tpu.memory_space<semaphore_mem>>) src(%dma_wait3A_143 : memref<128xi32, #tpu.memory_space<hbm>>) dst(%arg8 : memref<128xi32, #tpu.memory_space<vmem>>)
          tpu.yield
        }) : () -> ()
        %dma_start3A_132 = arith.constant 0 : i32
        %dma_start3A_133 = arith.constant 0 : i32
        %dma_start3A_134 = tpu.memref_slice %arg3[%dma_start3A_132, %dma_start3A_133] : memref<1000000x128xf32, #tpu.memory_space<hbm>> -> memref<1000000x128xf32, #tpu.memory_space<hbm>>
        tpu.enqueue_indirect_dma source(%dma_start3A_134 : memref<1000000x128xf32, #tpu.memory_space<hbm>>) target(%arg12 : memref<128x128xf32, #tpu.memory_space<vmem>>) offsets(%arg8 : memref<128xi32, #tpu.memory_space<vmem>>) semaphore(%arg16 : memref<!tpu.dma_semaphore, #tpu.memory_space<semaphore_mem>>)
      } else {
      }
      %dma_wait3A_55 = arith.constant 0 : i32
      %dma_wait3A_56 = arith.constant 0 : i32
      %dma_wait3A_57 = tpu.memref_slice %arg3[%dma_wait3A_55, %dma_wait3A_56] : memref<1000000x128xf32, #tpu.memory_space<hbm>> -> memref<1000000x128xf32, #tpu.memory_space<hbm>>
      tpu.wait_indirect_dma semaphore(%arg13 : memref<!tpu.dma_semaphore, #tpu.memory_space<semaphore_mem>>) src(%dma_wait3A_57 : memref<1000000x128xf32, #tpu.memory_space<hbm>>) dst(%arg9 : memref<128x128xf32, #tpu.memory_space<vmem>>)
      %dma_start3A_58 = arith.constant 0 : i32
      %dma_start3A_59 = tpu.memref_slice %arg4[%mul3A_2, %add3A_49, %dma_start3A_58] : memref<4096x200x128xf32, #tpu.memory_space<hbm>> -> memref<128x1x128xf32, #tpu.memory_space<hbm>>
      %dma_start3A_60 = tpu.memref_squeeze %dma_start3A_59 : memref<128x1x128xf32, #tpu.memory_space<hbm>> -> memref<128x128xf32, #tpu.memory_space<hbm>>
      %dma_start3A_61 = arith.constant 0 : i32
      %dma_start3A_62 = tpu.memref_slice %arg4[%mul3A_2, %add3A_49, %dma_start3A_61] : memref<4096x200x128xf32, #tpu.memory_space<hbm>> -> memref<128x1x128xf32, #tpu.memory_space<hbm>>
      %dma_start3A_63 = tpu.memref_squeeze %dma_start3A_62 : memref<128x1x128xf32, #tpu.memory_space<hbm>> -> memref<128x128xf32, #tpu.memory_space<hbm>>
      tpu.enqueue_dma source(%arg9 : memref<128x128xf32, #tpu.memory_space<vmem>>) target(%dma_start3A_63 : memref<128x128xf32, #tpu.memory_space<hbm>>) target_semaphore(%arg17 : memref<!tpu.dma_semaphore, #tpu.memory_space<semaphore_mem>>)
      %add3A_64 = arith.constant 1 : i32
      %add3A_65 = arith.addi %mul3A_47, %add3A_64 : i32
      %add3A_66 = arith.constant 4 : i32
      %add3A_67 = arith.addi %add3A_65, %add3A_66 : i32
      %sub3A_68 = arith.constant 1 : i32
      %sub3A_69 = arith.subi %add3A_67, %sub3A_68 : i32
      %lt3A_70 = arith.constant 200 : i32
      %lt3A_71 = arith.cmpi slt, %sub3A_69, %lt3A_70 : i32
      %convert_element_type3A_72 = arith.extui %lt3A_71 : i1 to i32
      %cond3A_73 = arith.constant 0 : i32
      %cond3A_74 = arith.cmpi ne, %convert_element_type3A_72, %cond3A_73 : i32
      scf.if %cond3A_74 {
        %ge3A = arith.constant 1 : i32
        %ge3A_124 = arith.cmpi sge, %add3A_65, %ge3A : i32
        %convert_element_type3A_125 = arith.extui %ge3A_124 : i1 to i32
        %cond3A_126 = arith.constant 0 : i32
        %cond3A_127 = arith.cmpi ne, %convert_element_type3A_125, %cond3A_126 : i32
        scf.if %cond3A_127 {
          %dma_wait3A_135 = arith.constant 0 : i32
          %dma_wait3A_136 = tpu.memref_slice %arg4[%mul3A_2, %add3A_65, %dma_wait3A_135] : memref<4096x200x128xf32, #tpu.memory_space<hbm>> -> memref<128x1x128xf32, #tpu.memory_space<hbm>>
          %dma_wait3A_137 = tpu.memref_squeeze %dma_wait3A_136 : memref<128x1x128xf32, #tpu.memory_space<hbm>> -> memref<128x128xf32, #tpu.memory_space<hbm>>
          %dma_wait3A_138 = arith.constant 0 : i32
          %dma_wait3A_139 = tpu.memref_slice %arg4[%mul3A_2, %add3A_65, %dma_wait3A_138] : memref<4096x200x128xf32, #tpu.memory_space<hbm>> -> memref<128x1x128xf32, #tpu.memory_space<hbm>>
          %dma_wait3A_140 = tpu.memref_squeeze %dma_wait3A_139 : memref<128x1x128xf32, #tpu.memory_space<hbm>> -> memref<128x128xf32, #tpu.memory_space<hbm>>
          tpu.wait_dma2 semaphore(%arg17 : memref<!tpu.dma_semaphore, #tpu.memory_space<semaphore_mem>>) src(%arg9 : memref<128x128xf32, #tpu.memory_space<vmem>>) dst(%dma_wait3A_140 : memref<128x128xf32, #tpu.memory_space<hbm>>)
        } else {
        }
        %add3A_128 = arith.constant 4 : i32
        %add3A_129 = arith.addi %add3A_65, %add3A_128 : i32
        %sub3A_130 = arith.constant 1 : i32
        %sub3A_131 = arith.subi %add3A_129, %sub3A_130 : i32
        "tpu.region"() ({
          %run_scoped3A_135 = tpu.sem_alloc : memref<!tpu.dma_semaphore, #tpu.memory_space<semaphore_mem>>
          %dma_start3A_136 = tpu.memref_slice %arg2[%sub3A_131, %mul3A_2] : memref<200x4096xi32, #tpu.memory_space<hbm>> -> memref<1x128xi32, #tpu.memory_space<hbm>>
          %dma_start3A_137 = tpu.memref_squeeze %dma_start3A_136 : memref<1x128xi32, #tpu.memory_space<hbm>> -> memref<128xi32, #tpu.memory_space<hbm>>
          %dma_start3A_138 = tpu.memref_slice %arg2[%sub3A_131, %mul3A_2] : memref<200x4096xi32, #tpu.memory_space<hbm>> -> memref<1x128xi32, #tpu.memory_space<hbm>>
          %dma_start3A_139 = tpu.memref_squeeze %dma_start3A_138 : memref<1x128xi32, #tpu.memory_space<hbm>> -> memref<128xi32, #tpu.memory_space<hbm>>
          tpu.enqueue_dma source(%dma_start3A_139 : memref<128xi32, #tpu.memory_space<hbm>>) target(%arg5 : memref<128xi32, #tpu.memory_space<vmem>>) target_semaphore(%run_scoped3A_135 : memref<!tpu.dma_semaphore, #tpu.memory_space<semaphore_mem>>)
          %dma_wait3A_140 = tpu.memref_slice %arg2[%sub3A_131, %mul3A_2] : memref<200x4096xi32, #tpu.memory_space<hbm>> -> memref<1x128xi32, #tpu.memory_space<hbm>>
          %dma_wait3A_141 = tpu.memref_squeeze %dma_wait3A_140 : memref<1x128xi32, #tpu.memory_space<hbm>> -> memref<128xi32, #tpu.memory_space<hbm>>
          %dma_wait3A_142 = tpu.memref_slice %arg2[%sub3A_131, %mul3A_2] : memref<200x4096xi32, #tpu.memory_space<hbm>> -> memref<1x128xi32, #tpu.memory_space<hbm>>
          %dma_wait3A_143 = tpu.memref_squeeze %dma_wait3A_142 : memref<1x128xi32, #tpu.memory_space<hbm>> -> memref<128xi32, #tpu.memory_space<hbm>>
          tpu.wait_dma2 semaphore(%run_scoped3A_135 : memref<!tpu.dma_semaphore, #tpu.memory_space<semaphore_mem>>) src(%dma_wait3A_143 : memref<128xi32, #tpu.memory_space<hbm>>) dst(%arg5 : memref<128xi32, #tpu.memory_space<vmem>>)
          tpu.yield
        }) : () -> ()
        %dma_start3A_132 = arith.constant 0 : i32
        %dma_start3A_133 = arith.constant 0 : i32
        %dma_start3A_134 = tpu.memref_slice %arg3[%dma_start3A_132, %dma_start3A_133] : memref<1000000x128xf32, #tpu.memory_space<hbm>> -> memref<1000000x128xf32, #tpu.memory_space<hbm>>
        tpu.enqueue_indirect_dma source(%dma_start3A_134 : memref<1000000x128xf32, #tpu.memory_space<hbm>>) target(%arg9 : memref<128x128xf32, #tpu.memory_space<vmem>>) offsets(%arg5 : memref<128xi32, #tpu.memory_space<vmem>>) semaphore(%arg13 : memref<!tpu.dma_semaphore, #tpu.memory_space<semaphore_mem>>)
      } else {
      }
      %dma_wait3A_75 = arith.constant 0 : i32
      %dma_wait3A_76 = arith.constant 0 : i32
      %dma_wait3A_77 = tpu.memref_slice %arg3[%dma_wait3A_75, %dma_wait3A_76] : memref<1000000x128xf32, #tpu.memory_space<hbm>> -> memref<1000000x128xf32, #tpu.memory_space<hbm>>
      tpu.wait_indirect_dma semaphore(%arg14 : memref<!tpu.dma_semaphore, #tpu.memory_space<semaphore_mem>>) src(%dma_wait3A_77 : memref<1000000x128xf32, #tpu.memory_space<hbm>>) dst(%arg10 : memref<128x128xf32, #tpu.memory_space<vmem>>)
      %dma_start3A_78 = arith.constant 0 : i32
      %dma_start3A_79 = tpu.memref_slice %arg4[%mul3A_2, %add3A_65, %dma_start3A_78] : memref<4096x200x128xf32, #tpu.memory_space<hbm>> -> memref<128x1x128xf32, #tpu.memory_space<hbm>>
      %dma_start3A_80 = tpu.memref_squeeze %dma_start3A_79 : memref<128x1x128xf32, #tpu.memory_space<hbm>> -> memref<128x128xf32, #tpu.memory_space<hbm>>
      %dma_start3A_81 = arith.constant 0 : i32
      %dma_start3A_82 = tpu.memref_slice %arg4[%mul3A_2, %add3A_65, %dma_start3A_81] : memref<4096x200x128xf32, #tpu.memory_space<hbm>> -> memref<128x1x128xf32, #tpu.memory_space<hbm>>
      %dma_start3A_83 = tpu.memref_squeeze %dma_start3A_82 : memref<128x1x128xf32, #tpu.memory_space<hbm>> -> memref<128x128xf32, #tpu.memory_space<hbm>>
      tpu.enqueue_dma source(%arg10 : memref<128x128xf32, #tpu.memory_space<vmem>>) target(%dma_start3A_83 : memref<128x128xf32, #tpu.memory_space<hbm>>) target_semaphore(%arg18 : memref<!tpu.dma_semaphore, #tpu.memory_space<semaphore_mem>>)
      %add3A_84 = arith.constant 2 : i32
      %add3A_85 = arith.addi %mul3A_47, %add3A_84 : i32
      %add3A_86 = arith.constant 4 : i32
      %add3A_87 = arith.addi %add3A_85, %add3A_86 : i32
      %sub3A_88 = arith.constant 1 : i32
      %sub3A_89 = arith.subi %add3A_87, %sub3A_88 : i32
      %lt3A_90 = arith.constant 200 : i32
      %lt3A_91 = arith.cmpi slt, %sub3A_89, %lt3A_90 : i32
      %convert_element_type3A_92 = arith.extui %lt3A_91 : i1 to i32
      %cond3A_93 = arith.constant 0 : i32
      %cond3A_94 = arith.cmpi ne, %convert_element_type3A_92, %cond3A_93 : i32
      scf.if %cond3A_94 {
        %ge3A = arith.constant 1 : i32
        %ge3A_124 = arith.cmpi sge, %add3A_85, %ge3A : i32
        %convert_element_type3A_125 = arith.extui %ge3A_124 : i1 to i32
        %cond3A_126 = arith.constant 0 : i32
        %cond3A_127 = arith.cmpi ne, %convert_element_type3A_125, %cond3A_126 : i32
        scf.if %cond3A_127 {
          %dma_wait3A_135 = arith.constant 0 : i32
          %dma_wait3A_136 = tpu.memref_slice %arg4[%mul3A_2, %add3A_85, %dma_wait3A_135] : memref<4096x200x128xf32, #tpu.memory_space<hbm>> -> memref<128x1x128xf32, #tpu.memory_space<hbm>>
          %dma_wait3A_137 = tpu.memref_squeeze %dma_wait3A_136 : memref<128x1x128xf32, #tpu.memory_space<hbm>> -> memref<128x128xf32, #tpu.memory_space<hbm>>
          %dma_wait3A_138 = arith.constant 0 : i32
          %dma_wait3A_139 = tpu.memref_slice %arg4[%mul3A_2, %add3A_85, %dma_wait3A_138] : memref<4096x200x128xf32, #tpu.memory_space<hbm>> -> memref<128x1x128xf32, #tpu.memory_space<hbm>>
          %dma_wait3A_140 = tpu.memref_squeeze %dma_wait3A_139 : memref<128x1x128xf32, #tpu.memory_space<hbm>> -> memref<128x128xf32, #tpu.memory_space<hbm>>
          tpu.wait_dma2 semaphore(%arg18 : memref<!tpu.dma_semaphore, #tpu.memory_space<semaphore_mem>>) src(%arg10 : memref<128x128xf32, #tpu.memory_space<vmem>>) dst(%dma_wait3A_140 : memref<128x128xf32, #tpu.memory_space<hbm>>)
        } else {
        }
        %add3A_128 = arith.constant 4 : i32
        %add3A_129 = arith.addi %add3A_85, %add3A_128 : i32
        %sub3A_130 = arith.constant 1 : i32
        %sub3A_131 = arith.subi %add3A_129, %sub3A_130 : i32
        "tpu.region"() ({
          %run_scoped3A_135 = tpu.sem_alloc : memref<!tpu.dma_semaphore, #tpu.memory_space<semaphore_mem>>
          %dma_start3A_136 = tpu.memref_slice %arg2[%sub3A_131, %mul3A_2] : memref<200x4096xi32, #tpu.memory_space<hbm>> -> memref<1x128xi32, #tpu.memory_space<hbm>>
          %dma_start3A_137 = tpu.memref_squeeze %dma_start3A_136 : memref<1x128xi32, #tpu.memory_space<hbm>> -> memref<128xi32, #tpu.memory_space<hbm>>
          %dma_start3A_138 = tpu.memref_slice %arg2[%sub3A_131, %mul3A_2] : memref<200x4096xi32, #tpu.memory_space<hbm>> -> memref<1x128xi32, #tpu.memory_space<hbm>>
          %dma_start3A_139 = tpu.memref_squeeze %dma_start3A_138 : memref<1x128xi32, #tpu.memory_space<hbm>> -> memref<128xi32, #tpu.memory_space<hbm>>
          tpu.enqueue_dma source(%dma_start3A_139 : memref<128xi32, #tpu.memory_space<hbm>>) target(%arg6 : memref<128xi32, #tpu.memory_space<vmem>>) target_semaphore(%run_scoped3A_135 : memref<!tpu.dma_semaphore, #tpu.memory_space<semaphore_mem>>)
          %dma_wait3A_140 = tpu.memref_slice %arg2[%sub3A_131, %mul3A_2] : memref<200x4096xi32, #tpu.memory_space<hbm>> -> memref<1x128xi32, #tpu.memory_space<hbm>>
          %dma_wait3A_141 = tpu.memref_squeeze %dma_wait3A_140 : memref<1x128xi32, #tpu.memory_space<hbm>> -> memref<128xi32, #tpu.memory_space<hbm>>
          %dma_wait3A_142 = tpu.memref_slice %arg2[%sub3A_131, %mul3A_2] : memref<200x4096xi32, #tpu.memory_space<hbm>> -> memref<1x128xi32, #tpu.memory_space<hbm>>
          %dma_wait3A_143 = tpu.memref_squeeze %dma_wait3A_142 : memref<1x128xi32, #tpu.memory_space<hbm>> -> memref<128xi32, #tpu.memory_space<hbm>>
          tpu.wait_dma2 semaphore(%run_scoped3A_135 : memref<!tpu.dma_semaphore, #tpu.memory_space<semaphore_mem>>) src(%dma_wait3A_143 : memref<128xi32, #tpu.memory_space<hbm>>) dst(%arg6 : memref<128xi32, #tpu.memory_space<vmem>>)
          tpu.yield
        }) : () -> ()
        %dma_start3A_132 = arith.constant 0 : i32
        %dma_start3A_133 = arith.constant 0 : i32
        %dma_start3A_134 = tpu.memref_slice %arg3[%dma_start3A_132, %dma_start3A_133] : memref<1000000x128xf32, #tpu.memory_space<hbm>> -> memref<1000000x128xf32, #tpu.memory_space<hbm>>
        tpu.enqueue_indirect_dma source(%dma_start3A_134 : memref<1000000x128xf32, #tpu.memory_space<hbm>>) target(%arg10 : memref<128x128xf32, #tpu.memory_space<vmem>>) offsets(%arg6 : memref<128xi32, #tpu.memory_space<vmem>>) semaphore(%arg14 : memref<!tpu.dma_semaphore, #tpu.memory_space<semaphore_mem>>)
      } else {
      }
      %dma_wait3A_95 = arith.constant 0 : i32
      %dma_wait3A_96 = arith.constant 0 : i32
      %dma_wait3A_97 = tpu.memref_slice %arg3[%dma_wait3A_95, %dma_wait3A_96] : memref<1000000x128xf32, #tpu.memory_space<hbm>> -> memref<1000000x128xf32, #tpu.memory_space<hbm>>
      tpu.wait_indirect_dma semaphore(%arg15 : memref<!tpu.dma_semaphore, #tpu.memory_space<semaphore_mem>>) src(%dma_wait3A_97 : memref<1000000x128xf32, #tpu.memory_space<hbm>>) dst(%arg11 : memref<128x128xf32, #tpu.memory_space<vmem>>)
      %dma_start3A_98 = arith.constant 0 : i32
      %dma_start3A_99 = tpu.memref_slice %arg4[%mul3A_2, %add3A_85, %dma_start3A_98] : memref<4096x200x128xf32, #tpu.memory_space<hbm>> -> memref<128x1x128xf32, #tpu.memory_space<hbm>>
      %dma_start3A_100 = tpu.memref_squeeze %dma_start3A_99 : memref<128x1x128xf32, #tpu.memory_space<hbm>> -> memref<128x128xf32, #tpu.memory_space<hbm>>
      %dma_start3A_101 = arith.constant 0 : i32
      %dma_start3A_102 = tpu.memref_slice %arg4[%mul3A_2, %add3A_85, %dma_start3A_101] : memref<4096x200x128xf32, #tpu.memory_space<hbm>> -> memref<128x1x128xf32, #tpu.memory_space<hbm>>
      %dma_start3A_103 = tpu.memref_squeeze %dma_start3A_102 : memref<128x1x128xf32, #tpu.memory_space<hbm>> -> memref<128x128xf32, #tpu.memory_space<hbm>>
      tpu.enqueue_dma source(%arg11 : memref<128x128xf32, #tpu.memory_space<vmem>>) target(%dma_start3A_103 : memref<128x128xf32, #tpu.memory_space<hbm>>) target_semaphore(%arg19 : memref<!tpu.dma_semaphore, #tpu.memory_space<semaphore_mem>>)
      %add3A_104 = arith.constant 3 : i32
      %add3A_105 = arith.addi %mul3A_47, %add3A_104 : i32
      %add3A_106 = arith.constant 4 : i32
      %add3A_107 = arith.addi %add3A_105, %add3A_106 : i32
      %sub3A_108 = arith.constant 1 : i32
      %sub3A_109 = arith.subi %add3A_107, %sub3A_108 : i32
      %lt3A_110 = arith.constant 200 : i32
      %lt3A_111 = arith.cmpi slt, %sub3A_109, %lt3A_110 : i32
      %convert_element_type3A_112 = arith.extui %lt3A_111 : i1 to i32
      %cond3A_113 = arith.constant 0 : i32
      %cond3A_114 = arith.cmpi ne, %convert_element_type3A_112, %cond3A_113 : i32
      scf.if %cond3A_114 {
        %ge3A = arith.constant 1 : i32
        %ge3A_124 = arith.cmpi sge, %add3A_105, %ge3A : i32
        %convert_element_type3A_125 = arith.extui %ge3A_124 : i1 to i32
        %cond3A_126 = arith.constant 0 : i32
        %cond3A_127 = arith.cmpi ne, %convert_element_type3A_125, %cond3A_126 : i32
        scf.if %cond3A_127 {
          %dma_wait3A_135 = arith.constant 0 : i32
          %dma_wait3A_136 = tpu.memref_slice %arg4[%mul3A_2, %add3A_105, %dma_wait3A_135] : memref<4096x200x128xf32, #tpu.memory_space<hbm>> -> memref<128x1x128xf32, #tpu.memory_space<hbm>>
          %dma_wait3A_137 = tpu.memref_squeeze %dma_wait3A_136 : memref<128x1x128xf32, #tpu.memory_space<hbm>> -> memref<128x128xf32, #tpu.memory_space<hbm>>
          %dma_wait3A_138 = arith.constant 0 : i32
          %dma_wait3A_139 = tpu.memref_slice %arg4[%mul3A_2, %add3A_105, %dma_wait3A_138] : memref<4096x200x128xf32, #tpu.memory_space<hbm>> -> memref<128x1x128xf32, #tpu.memory_space<hbm>>
          %dma_wait3A_140 = tpu.memref_squeeze %dma_wait3A_139 : memref<128x1x128xf32, #tpu.memory_space<hbm>> -> memref<128x128xf32, #tpu.memory_space<hbm>>
          tpu.wait_dma2 semaphore(%arg19 : memref<!tpu.dma_semaphore, #tpu.memory_space<semaphore_mem>>) src(%arg11 : memref<128x128xf32, #tpu.memory_space<vmem>>) dst(%dma_wait3A_140 : memref<128x128xf32, #tpu.memory_space<hbm>>)
        } else {
        }
        %add3A_128 = arith.constant 4 : i32
        %add3A_129 = arith.addi %add3A_105, %add3A_128 : i32
        %sub3A_130 = arith.constant 1 : i32
        %sub3A_131 = arith.subi %add3A_129, %sub3A_130 : i32
        "tpu.region"() ({
          %run_scoped3A_135 = tpu.sem_alloc : memref<!tpu.dma_semaphore, #tpu.memory_space<semaphore_mem>>
          %dma_start3A_136 = tpu.memref_slice %arg2[%sub3A_131, %mul3A_2] : memref<200x4096xi32, #tpu.memory_space<hbm>> -> memref<1x128xi32, #tpu.memory_space<hbm>>
          %dma_start3A_137 = tpu.memref_squeeze %dma_start3A_136 : memref<1x128xi32, #tpu.memory_space<hbm>> -> memref<128xi32, #tpu.memory_space<hbm>>
          %dma_start3A_138 = tpu.memref_slice %arg2[%sub3A_131, %mul3A_2] : memref<200x4096xi32, #tpu.memory_space<hbm>> -> memref<1x128xi32, #tpu.memory_space<hbm>>
          %dma_start3A_139 = tpu.memref_squeeze %dma_start3A_138 : memref<1x128xi32, #tpu.memory_space<hbm>> -> memref<128xi32, #tpu.memory_space<hbm>>
          tpu.enqueue_dma source(%dma_start3A_139 : memref<128xi32, #tpu.memory_space<hbm>>) target(%arg7 : memref<128xi32, #tpu.memory_space<vmem>>) target_semaphore(%run_scoped3A_135 : memref<!tpu.dma_semaphore, #tpu.memory_space<semaphore_mem>>)
          %dma_wait3A_140 = tpu.memref_slice %arg2[%sub3A_131, %mul3A_2] : memref<200x4096xi32, #tpu.memory_space<hbm>> -> memref<1x128xi32, #tpu.memory_space<hbm>>
          %dma_wait3A_141 = tpu.memref_squeeze %dma_wait3A_140 : memref<1x128xi32, #tpu.memory_space<hbm>> -> memref<128xi32, #tpu.memory_space<hbm>>
          %dma_wait3A_142 = tpu.memref_slice %arg2[%sub3A_131, %mul3A_2] : memref<200x4096xi32, #tpu.memory_space<hbm>> -> memref<1x128xi32, #tpu.memory_space<hbm>>
          %dma_wait3A_143 = tpu.memref_squeeze %dma_wait3A_142 : memref<1x128xi32, #tpu.memory_space<hbm>> -> memref<128xi32, #tpu.memory_space<hbm>>
          tpu.wait_dma2 semaphore(%run_scoped3A_135 : memref<!tpu.dma_semaphore, #tpu.memory_space<semaphore_mem>>) src(%dma_wait3A_143 : memref<128xi32, #tpu.memory_space<hbm>>) dst(%arg7 : memref<128xi32, #tpu.memory_space<vmem>>)
          tpu.yield
        }) : () -> ()
        %dma_start3A_132 = arith.constant 0 : i32
        %dma_start3A_133 = arith.constant 0 : i32
        %dma_start3A_134 = tpu.memref_slice %arg3[%dma_start3A_132, %dma_start3A_133] : memref<1000000x128xf32, #tpu.memory_space<hbm>> -> memref<1000000x128xf32, #tpu.memory_space<hbm>>
        tpu.enqueue_indirect_dma source(%dma_start3A_134 : memref<1000000x128xf32, #tpu.memory_space<hbm>>) target(%arg11 : memref<128x128xf32, #tpu.memory_space<vmem>>) offsets(%arg7 : memref<128xi32, #tpu.memory_space<vmem>>) semaphore(%arg15 : memref<!tpu.dma_semaphore, #tpu.memory_space<semaphore_mem>>)
      } else {
      }
      %dma_wait3A_115 = arith.constant 0 : i32
      %dma_wait3A_116 = arith.constant 0 : i32
      %dma_wait3A_117 = tpu.memref_slice %arg3[%dma_wait3A_115, %dma_wait3A_116] : memref<1000000x128xf32, #tpu.memory_space<hbm>> -> memref<1000000x128xf32, #tpu.memory_space<hbm>>
      tpu.wait_indirect_dma semaphore(%arg16 : memref<!tpu.dma_semaphore, #tpu.memory_space<semaphore_mem>>) src(%dma_wait3A_117 : memref<1000000x128xf32, #tpu.memory_space<hbm>>) dst(%arg12 : memref<128x128xf32, #tpu.memory_space<vmem>>)
      %dma_start3A_118 = arith.constant 0 : i32
      %dma_start3A_119 = tpu.memref_slice %arg4[%mul3A_2, %add3A_105, %dma_start3A_118] : memref<4096x200x128xf32, #tpu.memory_space<hbm>> -> memref<128x1x128xf32, #tpu.memory_space<hbm>>
      %dma_start3A_120 = tpu.memref_squeeze %dma_start3A_119 : memref<128x1x128xf32, #tpu.memory_space<hbm>> -> memref<128x128xf32, #tpu.memory_space<hbm>>
      %dma_start3A_121 = arith.constant 0 : i32
      %dma_start3A_122 = tpu.memref_slice %arg4[%mul3A_2, %add3A_105, %dma_start3A_121] : memref<4096x200x128xf32, #tpu.memory_space<hbm>> -> memref<128x1x128xf32, #tpu.memory_space<hbm>>
      %dma_start3A_123 = tpu.memref_squeeze %dma_start3A_122 : memref<128x1x128xf32, #tpu.memory_space<hbm>> -> memref<128x128xf32, #tpu.memory_space<hbm>>
      tpu.enqueue_dma source(%arg12 : memref<128x128xf32, #tpu.memory_space<vmem>>) target(%dma_start3A_123 : memref<128x128xf32, #tpu.memory_space<hbm>>) target_semaphore(%arg20 : memref<!tpu.dma_semaphore, #tpu.memory_space<semaphore_mem>>)
    }
    %scan3A_17 = arith.constant 50 : i32
    %dma_wait3A = arith.constant 0 : i32
    %dma_wait3A_18 = arith.constant 0 : i32
    %dma_wait3A_19 = tpu.memref_slice %arg4[%mul3A_2, %dma_wait3A, %dma_wait3A_18] : memref<4096x200x128xf32, #tpu.memory_space<hbm>> -> memref<128x1x128xf32, #tpu.memory_space<hbm>>
    %dma_wait3A_20 = tpu.memref_squeeze %dma_wait3A_19 : memref<128x1x128xf32, #tpu.memory_space<hbm>> -> memref<128x128xf32, #tpu.memory_space<hbm>>
    %dma_wait3A_21 = arith.constant 0 : i32
    %dma_wait3A_22 = tpu.memref_slice %arg4[%mul3A_2, %dma_wait3A, %dma_wait3A_21] : memref<4096x200x128xf32, #tpu.memory_space<hbm>> -> memref<128x1x128xf32, #tpu.memory_space<hbm>>
    %dma_wait3A_23 = tpu.memref_squeeze %dma_wait3A_22 : memref<128x1x128xf32, #tpu.memory_space<hbm>> -> memref<128x128xf32, #tpu.memory_space<hbm>>
    tpu.wait_dma2 semaphore(%arg17 : memref<!tpu.dma_semaphore, #tpu.memory_space<semaphore_mem>>) src(%arg9 : memref<128x128xf32, #tpu.memory_space<vmem>>) dst(%dma_wait3A_23 : memref<128x128xf32, #tpu.memory_space<hbm>>)
    %dma_wait3A_24 = arith.constant 1 : i32
    %dma_wait3A_25 = arith.constant 0 : i32
    %dma_wait3A_26 = tpu.memref_slice %arg4[%mul3A_2, %dma_wait3A_24, %dma_wait3A_25] : memref<4096x200x128xf32, #tpu.memory_space<hbm>> -> memref<128x1x128xf32, #tpu.memory_space<hbm>>
    %dma_wait3A_27 = tpu.memref_squeeze %dma_wait3A_26 : memref<128x1x128xf32, #tpu.memory_space<hbm>> -> memref<128x128xf32, #tpu.memory_space<hbm>>
    %dma_wait3A_28 = arith.constant 0 : i32
    %dma_wait3A_29 = tpu.memref_slice %arg4[%mul3A_2, %dma_wait3A_24, %dma_wait3A_28] : memref<4096x200x128xf32, #tpu.memory_space<hbm>> -> memref<128x1x128xf32, #tpu.memory_space<hbm>>
    %dma_wait3A_30 = tpu.memref_squeeze %dma_wait3A_29 : memref<128x1x128xf32, #tpu.memory_space<hbm>> -> memref<128x128xf32, #tpu.memory_space<hbm>>
    tpu.wait_dma2 semaphore(%arg18 : memref<!tpu.dma_semaphore, #tpu.memory_space<semaphore_mem>>) src(%arg10 : memref<128x128xf32, #tpu.memory_space<vmem>>) dst(%dma_wait3A_30 : memref<128x128xf32, #tpu.memory_space<hbm>>)
    %dma_wait3A_31 = arith.constant 2 : i32
    %dma_wait3A_32 = arith.constant 0 : i32
    %dma_wait3A_33 = tpu.memref_slice %arg4[%mul3A_2, %dma_wait3A_31, %dma_wait3A_32] : memref<4096x200x128xf32, #tpu.memory_space<hbm>> -> memref<128x1x128xf32, #tpu.memory_space<hbm>>
    %dma_wait3A_34 = tpu.memref_squeeze %dma_wait3A_33 : memref<128x1x128xf32, #tpu.memory_space<hbm>> -> memref<128x128xf32, #tpu.memory_space<hbm>>
    %dma_wait3A_35 = arith.constant 0 : i32
    %dma_wait3A_36 = tpu.memref_slice %arg4[%mul3A_2, %dma_wait3A_31, %dma_wait3A_35] : memref<4096x200x128xf32, #tpu.memory_space<hbm>> -> memref<128x1x128xf32, #tpu.memory_space<hbm>>
    %dma_wait3A_37 = tpu.memref_squeeze %dma_wait3A_36 : memref<128x1x128xf32, #tpu.memory_space<hbm>> -> memref<128x128xf32, #tpu.memory_space<hbm>>
    tpu.wait_dma2 semaphore(%arg19 : memref<!tpu.dma_semaphore, #tpu.memory_space<semaphore_mem>>) src(%arg11 : memref<128x128xf32, #tpu.memory_space<vmem>>) dst(%dma_wait3A_37 : memref<128x128xf32, #tpu.memory_space<hbm>>)
    %dma_wait3A_38 = arith.constant 3 : i32
    %dma_wait3A_39 = arith.constant 0 : i32
    %dma_wait3A_40 = tpu.memref_slice %arg4[%mul3A_2, %dma_wait3A_38, %dma_wait3A_39] : memref<4096x200x128xf32, #tpu.memory_space<hbm>> -> memref<128x1x128xf32, #tpu.memory_space<hbm>>
    %dma_wait3A_41 = tpu.memref_squeeze %dma_wait3A_40 : memref<128x1x128xf32, #tpu.memory_space<hbm>> -> memref<128x128xf32, #tpu.memory_space<hbm>>
    %dma_wait3A_42 = arith.constant 0 : i32
    %dma_wait3A_43 = tpu.memref_slice %arg4[%mul3A_2, %dma_wait3A_38, %dma_wait3A_42] : memref<4096x200x128xf32, #tpu.memory_space<hbm>> -> memref<128x1x128xf32, #tpu.memory_space<hbm>>
    %dma_wait3A_44 = tpu.memref_squeeze %dma_wait3A_43 : memref<128x1x128xf32, #tpu.memory_space<hbm>> -> memref<128x128xf32, #tpu.memory_space<hbm>>
    tpu.wait_dma2 semaphore(%arg20 : memref<!tpu.dma_semaphore, #tpu.memory_space<semaphore_mem>>) src(%arg12 : memref<128x128xf32, #tpu.memory_space<vmem>>) dst(%dma_wait3A_44 : memref<128x128xf32, #tpu.memory_space<hbm>>)
    return
  }
}

</mosaic_0001>

<sc_bundles>
// kernel: kernel.3.cloned.1.call-start
scs
__scs_entry_jumppad:
0x0: {  	(pc) =	sbr.rel $0x88, $3  }
0x1: {  	(tag) =	ssettag $0x0;
	lr =	simm.s32 $0x1  }
0x2: {  	[smem:$0x3F9F] =	sst lr;
	_ =	strace $0xD0000000  }
0x3: {  	_ = 	snop  }
0x4: {  	_ = 	snop  }
0x5: {  	_ = 	snop  }
0x6: {  	_ = 	snop  }
0x7: {  	_ = 	snop  }
__scs_overlays_trampoline_lowered:
0x8: {  	[smem:$0x3FAE] =	sst s0  }
0x9: {  	[smem:$0x3FAF] =	sst s1  }
0xa: {  	[smem:$0x3FB0] =	sst s2  }
0xb: {  	[smem:$0x3FB1] =	sst s3  }
0xc: {  	[smem:$0x3FB2] =	sst s4  }
0xd: {  	[smem:$0x3FB3] =	sst s5  }
0xe: {  	[smem:$0x3FB4] =	sst s6  }
0xf: {  	[smem:$0x3FB5] =	sst s7  }
0x10: {  	[smem:$0x3FB6] =	sst s8  }
0x11: {  	[smem:$0x3FB7] =	sst s9;
	s0 =	simm.s32 @!p0 $0x0  }
0x12: {  	s1 =	sld [smem:$0x3F9D];
	s0 =	simm.s32 @p0 $0x1  }
0x13: {  	[smem:$0x3FB8] =	sst s0;
	s0 =	simm.s32 @!p1 $0x0  }
0x14: {  	s2 =	sld [smem:$0x3F9C];
	s0 =	simm.s32 @p1 $0x1  }
0x15: {  	[smem:$0x3FB9] =	sst s0;
	s0 =	simm.s32 @!p2 $0x0  }
0x16: {  	s3 =	sld [smem:$0x3FDB];
	s0 =	simm.s32 @p2 $0x1  }
0x17: {  	s4 =	simm.s32 $0x1BF5;
	[smem:$0x3FBB] =	sst s0  }
0x18: {  	s0 =	sld [smem:$0x3F9E];
	_ =	swait.ge [sflag:s4], $0x0  }
0x19: {  	s7 =	sld [smem:$0x3F9F]  }
0x1a: {  	s8 =	sadd.s32 $0xFFFFE003, lr  }
0x1b: {  	s9 =	sadd.s32 $0xFFFFFEF7, lr;
	s5 =	simm.s32 $0xFFFFFFFF;
	p2 =	slt.u32 s8, $0xFFFFF086  }
0x1c: {  	p1 =	slt.u32 s9, $0xF7A;
	s5 =	simm.s32 @!p2 $0x0  }
0x1d: {  	s5 =	simm.s32 @p1 $0x1;
	p0 =	seq.s32 s7, s2  }
0x1e: {  	s7 =	smul.u32 @!p0 $0xF7A, s2;
	p2 =	seq.s32 @!p0 s5, $0x0  }
0x1f: {  	s9 =	smul.u32 $0xF7A, s1;
	s8 =	simm.s32 @!p0 $0x1BF5;
	p2 =	por !p2, p0  }
0x20: {  	[sflag:s8] =	ssyncset.s32 @!p0 $0xFFFFF086;
	s6 =	sadd.s32 @!p0 s3, s7;
	s7 =	simm.s32 @!p0 $0x108  }
0x21: {  	s3 =	sadd.s32 s3, s9;
	s6 =	sadd.s32 @!p0 $0x88, s6;
	s7 =	simm.s32 @p2 $0x1082  }
0x22: {  	[simem:s7], [sflag:s8] =	dma.local @!p0 [hbm:s6], $0xF7A  }
0x23: {  	s9 =	sor.u32 $0xD0000000, s2;
	s6 =	simm.s32 $0x108;
	_ =	swait.ge @!p0 [sflag:s8], $0x0  }
0x24: {  	s3 =	sadd.s32 $0x88, s3;
	s6 =	simm.s32 @!p1 $0x1082;
	[sflag:s4] =	ssyncset.s32 $0xFFFFF086  }
0x25: {  	[simem:s6], [sflag:s4] =	dma.local [hbm:s3], $0xF7A  }
0x26: {  	[smem:$0x3F9F] =	sst s1;
	(tag) =	ssettag s2;
	_ =	strace s9  }
0x27: {  	s1 =	sld [smem:$0x3FAF]  }
0x28: {  	s2 =	sld [smem:$0x3FB0]  }
0x29: {  	s4 =	sld [smem:$0x3FB2]  }
0x2a: {  	p0 =	seq.s32 s5, $0x0;
	s5 =	sld [smem:$0x3FB3]  }
0x2b: {  	s6 =	sld [smem:$0x3FB4]  }
0x2c: {  	s7 =	sld [smem:$0x3FB5]  }
0x2d: {  	s3 =	simm.s32 $0x108;
	s8 =	sld [smem:$0x3FB6]  }
0x2e: {  	s3 =	simm.s32 @!p0 $0x1082;
	s9 =	sld [smem:$0x3FB7]  }
0x2f: {  	lr =	sadd.s32 s0, s3;
	s0 =	sld [smem:$0x3FAE]  }
0x30: {  	s3 =	sld [smem:$0x3FB1]  }
0x31: {  	[smem:$0x3FBA] =	sst s10  }
0x32: {  	s10 =	sld [smem:$0x3FB8];
	_ =	sdelay $0x3  }
0x33: {  	p0 =	seq.s32 s10, $0x1;
	s10 =	sld [smem:$0x3FBA];
	_ =	sdelay $0x3  }
0x34: {  	[smem:$0x3FBA] =	sst s10  }
0x35: {  	s10 =	sld [smem:$0x3FB9];
	_ =	sdelay $0x3  }
0x36: {  	p1 =	seq.s32 s10, $0x1;
	s10 =	sld [smem:$0x3FBA];
	_ =	sdelay $0x3  }
0x37: {  	[smem:$0x3FBA] =	sst s10  }
0x38: {  	s10 =	sld [smem:$0x3FBB]  }
0x39: {  	_ = 	snop;
	(pc) =	sbr.ind lr, $3  }
0x3a: {  	_ = 	snop  }
0x3b: {  	_ = 	snop  }
0x3c: {  	p2 =	seq.s32 s10, $0x1;
	s10 =	sld [smem:$0x3FBA]  }
0x3d: {  	_ =	shalt  }
0x3e: {  	_ =	shalt  }
0x3f: {  	_ =	shalt  }
0x40: {  	_ =	shalt  }
0x41: {  	_ =	shalt  }
0x42: {  	_ =	shalt  }
0x43: {  	_ =	shalt  }
0x44: {  	_ =	shalt  }
0x45: {  	_ =	shalt  }
0x46: {  	_ =	shalt  }
0x47: {  	_ =	shalt  }
0x48: {  	_ =	shalt  }
0x49: {  	_ =	shalt  }
0x4a: {  	_ =	shalt  }
0x4b: {  	_ =	shalt  }
0x4c: {  	_ =	shalt  }
0x4d: {  	_ =	shalt  }
0x4e: {  	_ =	shalt  }
0x4f: {  	_ =	shalt  }
0x50: {  	_ =	shalt  }
0x51: {  	_ =	shalt  }
0x52: {  	_ =	shalt  }
0x53: {  	_ =	shalt  }
0x54: {  	_ =	shalt  }
0x55: {  	_ =	shalt  }
0x56: {  	_ =	shalt  }
0x57: {  	_ =	shalt  }
0x58: {  	_ =	shalt  }
0x59: {  	_ =	shalt  }
0x5a: {  	_ =	shalt  }
0x5b: {  	_ =	shalt  }
0x5c: {  	_ =	shalt  }
0x5d: {  	_ =	shalt  }
0x5e: {  	_ =	shalt  }
0x5f: {  	_ =	shalt  }
0x60: {  	_ =	shalt  }
0x61: {  	_ =	shalt  }
0x62: {  	_ =	shalt  }
0x63: {  	_ =	shalt  }
0x64: {  	_ =	shalt  }
0x65: {  	_ =	shalt  }
0x66: {  	_ =	shalt  }
0x67: {  	_ =	shalt  }
0x68: {  	_ =	shalt  }
0x69: {  	_ =	shalt  }
0x6a: {  	_ =	shalt  }
0x6b: {  	_ =	shalt  }
0x6c: {  	_ =	shalt  }
0x6d: {  	_ =	shalt  }
0x6e: {  	_ =	shalt  }
0x6f: {  	_ =	shalt  }
0x70: {  	_ =	shalt  }
0x71: {  	_ =	shalt  }
0x72: {  	_ =	shalt  }
0x73: {  	_ =	shalt  }
0x74: {  	_ =	shalt  }
0x75: {  	_ =	shalt  }
0x76: {  	_ =	shalt  }
0x77: {  	_ =	shalt  }
0x78: {  	_ =	shalt  }
0x79: {  	_ =	shalt  }
0x7a: {  	_ =	shalt  }
0x7b: {  	_ =	shalt  }
0x7c: {  	_ =	shalt  }
0x7d: {  	_ =	shalt  }
0x7e: {  	_ =	shalt  }
0x7f: {  	_ =	shalt  }
0x80: {  	_ =	shalt  }
0x81: {  	_ =	shalt  }
0x82: {  	_ =	shalt  }
0x83: {  	_ =	shalt  }
0x84: {  	_ =	shalt  }
0x85: {  	_ =	shalt  }
0x86: {  	_ =	shalt  }
0x87: {  	_ =	shalt  }
.Lfunc_end0:
.L_simem_size_0:
called_computation.1_lowered:
.L_overlay_start_0:
0x88: {  	s2 =	sld [smem:$0x3FD9]  }
0x89: {  	s3 =	sld [smem:$0x3FFE];
	_ =	sdelay $0x1  }
0x8a: {  	s1 =	srdreg.scid  }
0x8b: {  	s0 =	sand.u32 $0x1, s1  }
0x8c: {  	s17 =	sshll.u32 s0, $0xA;
	s2 =	sadd.s32 s3, s2  }
0x8d: {  	s2 =	sadd.s32 s2, s17  }
0x8e: {  	[smem:$0x3FC6] =	sst s2  }
0x8f: {  	_ = 	snop  }
0x90: {  	s2 =	sld [smem:$0x3FC9];
	(tm) =	ssettm $0x1  }
0x91: {  	s18 =	sld [smem:$0x3FFB];
	_ =	sdelay $0x3  }
0x92: {  	_ =	strace s18  }
0x93: {  	s3 =	sld [smem:$0x3FFC];
	_ =	sdelay $0x3  }
0x94: {  	_ =	strace s3  }
0x95: {  	s3 =	sld [smem:$0x3FFD];
	_ =	sdelay $0x3  }
0x96: {  	_ =	strace s3  }
0x97: {  	_ =	strace $0x8FFFFFFF  }
0x98: {  	s19 =	sld [smem:$0x3FDB];
	_ =	sdelay $0x1  }
0x99: {  	s4 =	simm.s32 $_scs_section_size  }
0x9a: {  	s5 =	simm.s32 $_size__tile_overlayer_lowered;
	s6 =	simm.s32 $_tile_overlayer_lowered  }
0x9b: {  	s22 =	simm.s32 $0x1BFF;
	s21 =	sshll.u32 s6, $0x1;
	s3 =	sadd.s32 s4, s19  }
0x9c: {  	s7 =	simm.s32 $0x0;
	s20 =	sshll.u32 s5, $0x1;
	s5 =	sadd.s32 s21, s3  }
0x9d: {  	[timem:s7], [sflag:s22] =	dma.local [hbm:s5], s20  }
0x9e: {  	_ =	swait.ge [sflag:s22], s20  }
0x9f: {  	s4 =	ssub.s32 $0x0, s20;
	[sflag:s22] =	ssyncset.done $0x0  }
0xa0: {  	[sflag:s22] =	ssyncadd.s32 s4;
	_ =	sdelay $0x1  }
0xa1: {  	s23 =	simm.s32 $0x1B8B  }
0xa2: {  	_ =	swait.ge [sflag:s23], $0x1  }
0xa3: {  	[sflag:s23] =	ssyncset.done $0x0  }
0xa4: {  	s25 =	simm.s32 $0x1B8E;
	s24 =	sld [smem:$0x3FFE];
	[sflag:s23] =	ssyncadd.s32 $0xFFFFFFFF  }
0xa5: {  	s26 =	simm.s32 $execute0_lowered;
	[smem:$0x3FD2] =	sst s25  }
0xa6: {  	s5 =	sshll.u32 s26, $0x1;
	_ =	strace $0x80000046;
	[dreg:$0x1] =	wrdreg $0xFFFFFFFF  }
0xa7: {  	s28 =	simm.s32 $_size_execute0_lowered;
	s3 =	sadd.s32 s3, s5;
	[dreg:$0x0] =	wrdreg $0x0  }
0xa8: {  	s5 =	sshll.u32 s28, $0x1;
	[dreg:$0x2] =	wrdreg s3  }
0xa9: {  	[dreg:$0x3] =	wrdreg s5  }
0xaa: {  	[dreg:$0x4] =	wrdreg $0xC0  }
0xab: {  	_ =	task [dreg:s7], $0x5FFFF  }
0xac: {  	[dreg:$0x1] =	wrdreg $0xFFFFFFFF  }
0xad: {  	[dreg:$0x0] =	wrdreg $0x60  }
0xae: {  	[dreg:$0x2] =	wrdreg s2  }
0xaf: {  	[dreg:$0x3] =	wrdreg s24  }
0xb0: {  	[dreg:$0x4] =	wrdreg $0x9  }
0xb1: {  	_ =	task.clear_ibuf [dreg:s7], $0x5FFFF;
	_ =	strace $0x90000046  }
0xb2: {  	s29 =	simm.s32 $0x9;
	_ =	strace $0x80000048  }
0xb3: {  	_ =	swait.ge [sflag:s29], $0x1  }
0xb4: {  	[sflag:s29] =	ssyncadd.s32 $0xFFFFFFFF  }
0xb5: {  	_ =	strace $0x90000048  }
0xb6: {  	_ =	sfence  }
0xb7: {  	s30 =	sld [smem:$0x0];
	_ =	sdelay $0x2  }
0xb8: {  	s31 =	sshll.u32 s1, $0xD;
	s1 =	sshrl.u32 s1, $0x2  }
0xb9: {  	s3 =	sand.u32 $0x4000, s31;
	s1 =	sadd.s32 s1, s30  }
0xba: {  	s0 =	sor.u32 s3, s0;
	s1 =	sshll.u32 s1, $0x11  }
0xbb: {  	s0 =	sor.u32 s1, s0  }
0xbc: {  	s0 =	sadd.s32 $0x8F2B, s0  }
0xbd: {  	[sflag:s0] =	ssyncadd.remote.s32 $0x1  }
0xbe: {  	_ =	sfence.sel $0xFFFF  }
0xbf: {  	[dreg:$0x0] =	wrdreg $0xFFFFFFFF;
	(pc) =	sbr.abs _section_cstart, $3  }
0xc0: {  	[dreg:$0x1] =	wrdreg $0xFFFFFFFF  }
0xc1: {  	_ =	task.clear_ibuf [dreg:s7], $0x2FFFF;
	_ =	strace $0x9FFFFFFF  }
0xc2: {  	(tm) =	ssettm $0x7FFFFFFF  }
0xc3: {  	_ =	shalt  }
tec
execute0_lowered:
.L_overlay_start_1:
0x0: {  	(tag) =	ssettag $0x1  }
0x1: {  	s1 =	rddreg [dreg:$0x0]  }
0x2: {  	s0 =	rddreg [dreg:$0x1];
	s3 =	simm.s32 $0x0;
	s2 =	srdreg.scid  }
0x3: {  	s7 =	stileid.u32;
	[smem:$0x7FF] =	sst s3  }
0x4: {  	s2 =	sand.u32 $0x1, s2;
	s24 =	sshll.u32 s7, $0x1;
	s4 =	sadd.s32 $0xF42C00, s0  }
0x5: {  	s25 =	sadd.s32 $0x800, s0;
	_ =	strace $0x80000047;
	[dreg:$0x6] =	wrdreg s4  }
0x6: {  	s7 =	smul.u32 $0x640000, s7;
	s3 =	sor.u32 s2, s24;
	[dreg:$0x5] =	wrdreg s25  }
0x7: {  	s18 =	smul.u32 $0x320000, s3;
	s6 =	sshll.u32 s3, $0x7;
	s3 =	sshll.u32 s3, $0xA  }
0x8: {  	s26 =	ssub.s32 $0x2, s2;
	s1 =	sadd.s32 s1, s6;
	[dreg:$0x7] =	wrdreg s3  }
0x9: {  	s2 =	smul.u32 $0x320000, s2;
	s28 =	sadd.s32 $0x10, s1;
	[dreg:$0x8] =	wrdreg s1  }
0xa: {  	s8 =	sshrl.u32 s26, $0x1;
	s1 =	sadd.s32 $0x20, s1;
	[dreg:$0x9] =	wrdreg s28  }
0xb: {  	s0 =	ssub.s32 s26, s8;
	s29 =	sor.u32 $0x80, s18;
	[dreg:$0xa] =	wrdreg s1  }
0xc: {  	s2 =	sadd.s32 s2, s7;
	s30 =	sor.u32 $0x100, s18;
	[dreg:$0x3] =	wrdreg s29  }
0xd: {  	s2 =	sshrl.u32 s2, $0x3;
	s0 =	smax.u32 s0, $0x1;
	[dreg:$0x4] =	wrdreg s30  }
0xe: {  	s12 =	simm.s32 $0xC200;
	[dreg:$0xb] =	wrdreg s0;
	s31 =	sadd.s32 s2, s25  }
0xf: {  	s22 =	simm.s32 $0x3;
	s2 =	simm.s32 $0x0;
	[dreg:$0xc] =	wrdreg s31  }
.LBB2_1:
0x10: {  	[dreg:$0xd] =	wrdreg s2  }
0x11: {  	s3 =	simm.s32 $0x0;
	s0 =	rddreg [dreg:$0x8];
	s6 =	simm.s32 $0x9  }
0x12: {  	[tilespmem:s3], [sflag:$0x9] =	stream.linear.gather [hbm4b:s0+s3], $0x80, $0x38;
	[tilespmem:$0x10200] =	vst v63  }
0x13: {  	_ =	swait.ge [sflag:s6], $0x80  }
0x14: {  	s7 =	simm.s32 $0x200;
	[sflag:s6] =	ssyncset.done $0x0  }
0x15: {  	s5 =	simm.s32 $0x80;
	s4 =	rddreg [dreg:$0x6];
	[sflag:s6] =	ssyncadd.s32 $0xFFFFFF80  }
0x16: {  	[tilespmem:s7], [sflag:$0x1] =	stream.indirect.gather [hbm4b:s4+s5], $0x80, s3, s5, $0xb8;
	[tilespmem:$0x10200] =	vst v63  }
0x17: {  	s16 =	rddreg [dreg:$0x9]  }
0x18: {  	[tilespmem:s5], [sflag:$0x9] =	stream.linear.gather [hbm4b:s16+s3], $0x80, $0x38;
	[tilespmem:$0x10200] =	vst v63  }
0x19: {  	_ =	swait.ge [sflag:s6], $0x80  }
0x1a: {  	[sflag:s6] =	ssyncset.done $0x0  }
0x1b: {  	s11 =	simm.s32 $0x4200;
	[sflag:s6] =	ssyncadd.s32 $0xFFFFFF80  }
0x1c: {  	[tilespmem:s11], [sflag:$0x2] =	stream.indirect.gather [hbm4b:s4+s5], $0x80, s5, s5, $0xb8;
	[tilespmem:$0x10200] =	vst v63  }
0x1d: {  	s1 =	simm.s32 $0x100;
	s17 =	rddreg [dreg:$0xa]  }
0x1e: {  	[tilespmem:s1], [sflag:$0x9] =	stream.linear.gather [hbm4b:s17+s3], $0x80, $0x38;
	[tilespmem:$0x10200] =	vst v63  }
0x1f: {  	_ =	swait.ge [sflag:s6], $0x80  }
0x20: {  	s19 =	simm.s32 $0x8200;
	p0 =	por $0x1, $0x1;
	[sflag:s6] =	ssyncset.done $0x0  }
0x21: {  	s28 =	sand.u32 $0x200, s3;
	s2 =	simm.s32 @!p0 $0x8;
	[sflag:s6] =	ssyncadd.s32 $0xFFFFFF80  }
0x22: {  	[tilespmem:s19], [sflag:$0x3] =	stream.indirect.gather [hbm4b:s4+s5], $0x80, s1, s5, $0xb8;
	[tilespmem:$0x10200] =	vst v63  }
0x23: {  	s20 =	sand.u32 $0xF8000, s3;
	s8 =	rddreg [dreg:$0x7];
	_ =	swait.ge @!p0 [sflag:s2], $0x4000  }
0x24: {  	s9 =	sor.u32 $0x180, s28;
	s0 =	sor.u32 s8, s20;
	[sflag:s2] =	ssyncset.done @!p0 $0x0  }
0x25: {  	s0 =	sor.u32 s9, s0;
	[sflag:s2] =	ssyncadd.s32 @!p0 $0xFFFFC000  }
0x26: {  	s0 =	sshrl.u32 s0, $0x3;
	s1 =	rddreg [dreg:$0x0]  }
0x27: {  	s10 =	simm.s32 $0x180;
	p1 =	por $0x0, $0x0;
	s0 =	sadd.s32 s1, s0  }
0x28: {  	[tilespmem:s10], [sflag:$0x9] =	stream.linear.gather [hbm4b:s0+s3], $0x80, $0x38;
	[tilespmem:$0x10200] =	vst v63  }
0x29: {  	s21 =	simm.s32 $0x1;
	s13 =	simm.s32 $0x6400;
	_ =	swait.ge [sflag:s6], $0x80  }
0x2a: {  	s23 =	simm.s32 $0x2;
	s26 =	simm.s32 $0x8000;
	[sflag:s6] =	ssyncset.done $0x0  }
0x2b: {  	s2 =	sxor.u32 @!p1 $0xFFFFFFFF, s3;
	s0 =	simm.s32 @!p1 $0x4000;
	[sflag:s6] =	ssyncadd.s32 $0xFFFFFF80  }
0x2c: {  	[tilespmem:s12], [sflag:$0x4] =	stream.indirect.gather [hbm4b:s4+s5], $0x80, s10, s5, $0xb8;
	[tilespmem:$0x10200] =	vst v63  }
0x2d: {  	s2 =	sand.u32 @!p1 $0x200, s2;
	s0 =	sand.u32 @!p1 $0x1F8000, s0;
	_ =	swait.ge [sflag:s21], $0x4000  }
0x2e: {  	p0 =	por p1, p1;
	s0 =	sor.u32 @!p1 s0, s2;
	[sflag:s21] =	ssyncset.done $0x0  }
0x2f: {  	s2 =	simm.s32 @!p0 $0x5;
	s12 =	rddreg [dreg:$0xc];
	[sflag:s21] =	ssyncadd.s32 $0xFFFFC000  }
0x30: {  	[hbm4b:s12+s5] =	stream.strided.scatter [tilespmem:s7], [sflag:$0x5], $0x4000, s13, s5, $0x38;
	[tilespmem:$0x10200] =	vst v63  }
0x31: {  	s15 =	sand.u32 $0x7C00, s3;
	s0 =	sor.u32 @!p1 s8, s0;
	_ =	swait.ge @!p0 [sflag:s2], $0x4000  }
0x32: {  	s17 =	simm.s32 @!p0 $0x0;
	s0 =	sshrl.u32 @!p1 s0, $0x3;
	[sflag:s2] =	ssyncset.done @!p0 $0x0  }
0x33: {  	s29 =	simm.s32 @!p0 $0x9;
	s0 =	sadd.s32 @!p1 s1, s0;
	[sflag:s2] =	ssyncadd.s32 @!p0 $0xFFFFC000  }
0x34: {  	[tilespmem:s17], [sflag:$0x9] =	stream.linear.gather @!p0 [hbm4b:s0+s17], $0x80, $0x38;
	[tilespmem:$0x10200] =	vst v63  }
0x35: {  	s16 =	sor.u32 s18, s15;
	s3 =	simm.s32 @!p1 $0x280;
	_ =	swait.ge @!p0 [sflag:s29], $0x80  }
0x36: {  	s30 =	simm.s32 @!p0 $0x80;
	s3 =	sand.u32 @!p1 $0x280, s3;
	[sflag:s29] =	ssyncset.done @!p0 $0x0  }
0x37: {  	s6 =	simm.s32 @!p1 $0x5000;
	s0 =	simm.s32 @!p0 $0x200;
	[sflag:s29] =	ssyncadd.s32 @!p0 $0xFFFFFF80  }
0x38: {  	[tilespmem:s0], [sflag:$0x1] =	stream.indirect.gather @!p0 [hbm4b:s4+s30], $0x80, s17, s30, $0xb8;
	[tilespmem:$0x10200] =	vst v63  }
0x39: {  	s6 =	sand.u32 @!p1 $0x1F8000, s6;
	s10 =	simm.s32 @!p1 $0x6000;
	_ =	swait.ge [sflag:s23], $0x4000  }
0x3a: {  	s3 =	sor.u32 @!p1 s6, s3;
	s7 =	simm.s32 @!p1 $0x300;
	s24 =	rddreg [dreg:$0x3]  }
0x3b: {  	s3 =	sor.u32 @!p1 s8, s3;
	s6 =	sand.u32 @!p1 $0x300, s7;
	s0 =	sor.u32 s24, s15  }
0x3c: {  	s7 =	sand.u32 @!p1 $0x1F8000, s10;
	s10 =	simm.s32 @!p0 $0x6;
	s0 =	sor.u32 s28, s0  }
0x3d: {  	[sflag:s23] =	ssyncset.done $0x0;
	s25 =	rddreg [dreg:$0x5];
	s0 =	sshrl.u32 s0, $0x3  }
0x3e: {  	s2 =	simm.s32 $0x4000;
	[sflag:s23] =	ssyncadd.s32 $0xFFFFC000;
	s0 =	sadd.s32 s25, s0  }
0x3f: {  	[hbm4b:s0+s5] =	stream.strided.scatter [tilespmem:s11], [sflag:$0x6], $0x4000, s13, s5, $0x38;
	[tilespmem:$0x10200] =	vst v63  }
0x40: {  	s0 =	sshrl.u32 @!p1 s3, $0x3;
	s3 =	sor.u32 @!p1 s7, s6;
	_ =	swait.ge @!p0 [sflag:s10], $0x4000  }
0x41: {  	s6 =	sadd.s32 @!p1 s1, s0;
	s0 =	sor.u32 @!p1 s8, s3;
	s3 =	simm.s32 @!p1 $0x4200  }
0x42: {  	[sflag:s10] =	ssyncset.done @!p0 $0x0;
	s7 =	sshrl.u32 @!p1 s0, $0x3;
	s0 =	simm.s32 $0x200  }
0x43: {  	[sflag:s10] =	ssyncadd.s32 @!p0 $0xFFFFC000;
	s31 =	sadd.s32 @!p1 s1, s7;
	s11 =	sand.u32 $0x7C00, s0  }
0x44: {  	[tilespmem:s30], [sflag:$0x9] =	stream.linear.gather @!p0 [hbm4b:s6+s17], $0x80, $0x38;
	[tilespmem:$0x10200] =	vst v63  }
0x45: {  	s7 =	sand.u32 $0x200, s0;
	s19 =	sor.u32 s18, s11;
	_ =	swait.ge @!p0 [sflag:s29], $0x80  }
.LBB2_2:
0x46: {  	[sflag:s29] =	ssyncset.done @!p0 $0x0;
	s1 =	smov.u32 s26  }
0x47: {  	s8 =	rddreg [dreg:$0x6];
	p2 =	seq.s32 s2, $0x0;
	s6 =	simm.s32 @!p0 $0x100  }
0x48: {  	s20 =	sor.u32 s9, s16;
	s13 =	sand.u32 $0xF8000, s2;
	s21 =	simm.s32 @!p0 $0x7  }
0x49: {  	s9 =	sor.u32 $0x180, s7;
	p3 =	seq.s32 s2, $0xC4000;
	[sflag:s29] =	ssyncadd.s32 @!p0 $0xFFFFFF80  }
0x4a: {  	[tilespmem:s3], [sflag:$0x2] =	stream.indirect.gather @!p0 [hbm4b:s8+s30], $0x80, s30, s30, $0xb8;
	[tilespmem:$0x10200] =	vst v63  }
0x4b: {  	s14 =	simm.s32 $0x6400;
	s5 =	simm.s32 $0x80;
	_ =	swait.ge [sflag:s22], $0x4000  }
0x4c: {  	s16 =	simm.s32 @!p2 $0x8;
	s23 =	sadd.s32 @!p3 $0x280, s0;
	s24 =	rddreg [dreg:$0x4]  }
0x4d: {  	s23 =	sand.u32 @!p3 $0x280, s23;
	s10 =	rddreg [dreg:$0x7];
	[sflag:s22] =	ssyncset.done $0x0  }
0x4e: {  	s4 =	rddreg [dreg:$0x5];
	s13 =	sor.u32 s10, s13;
	s3 =	sor.u32 s24, s15  }
0x4f: {  	s15 =	sadd.s32 @!p3 $0x4000, s2;
	s24 =	sadd.s32 @!p3 $0x300, s0;
	[sflag:s22] =	ssyncadd.s32 $0xFFFFC000  }
0x50: {  	s22 =	simm.s32 $0x8200;
	s13 =	sor.u32 s9, s13;
	s3 =	sor.u32 s28, s3  }
0x51: {  	s28 =	sadd.s32 @!p3 $0x5000, s2;
	s15 =	sand.u32 @!p3 $0x1F8000, s15;
	s25 =	sshrl.u32 s3, $0x3  }
0x52: {  	s2 =	sadd.s32 @!p3 $0x6000, s2;
	s13 =	sshrl.u32 s13, $0x3;
	s25 =	sadd.s32 s4, s25  }
0x53: {  	[hbm4b:s25+s5] =	stream.strided.scatter [tilespmem:s22], [sflag:$0x7], $0x4000, s14, s5, $0x38;
	[tilespmem:$0x10200] =	vst v63  }
0x54: {  	s28 =	sand.u32 @!p3 $0x1F8000, s28;
	s25 =	sxor.u32 @!p3 $0xFFFFFFFF, s0;
	_ =	swait.ge @!p0 [sflag:s21], $0x4000  }
0x55: {  	s2 =	sand.u32 @!p3 $0x1F8000, s2;
	s25 =	sand.u32 @!p3 $0x200, s25;
	[sflag:s21] =	ssyncset.done @!p0 $0x0  }
0x56: {  	s23 =	sor.u32 @!p3 s28, s23;
	s15 =	sor.u32 @!p3 s15, s25;
	[sflag:s21] =	ssyncadd.s32 @!p0 $0xFFFFC000  }
0x57: {  	[tilespmem:s6], [sflag:$0x9] =	stream.linear.gather @!p0 [hbm4b:s31+s17], $0x80, $0x38;
	[tilespmem:$0x10200] =	vst v63  }
0x58: {  	s25 =	sshrl.u32 s20, $0x3;
	s20 =	simm.s32 @!p0 $0x8200;
	_ =	swait.ge @!p0 [sflag:s29], $0x80  }
0x59: {  	s15 =	sor.u32 @!p3 s10, s15;
	s17 =	sor.u32 @!p3 s10, s23;
	[sflag:s29] =	ssyncset.done @!p0 $0x0  }
0x5a: {  	s15 =	sshrl.u32 @!p3 s15, $0x3;
	s23 =	rddreg [dreg:$0x0];
	[sflag:s29] =	ssyncadd.s32 @!p0 $0xFFFFFF80  }
0x5b: {  	[tilespmem:s20], [sflag:$0x3] =	stream.indirect.gather @!p0 [hbm4b:s8+s30], $0x80, s6, s30, $0xb8;
	[tilespmem:$0x10200] =	vst v63  }
0x5c: {  	s21 =	sadd.s32 @!p3 s23, s15;
	s6 =	sand.u32 @!p3 $0x300, s24;
	s24 =	simm.s32 $0x4  }
0x5d: {  	s15 =	sadd.s32 s4, s25;
	s20 =	simm.s32 $0xC200;
	_ =	swait.ge [sflag:s24], $0x4000  }
0x5e: {  	s25 =	sadd.s32 s23, s13;
	s2 =	sor.u32 @!p3 s2, s6;
	[sflag:s24] =	ssyncset.done $0x0  }
0x5f: {  	s2 =	sor.u32 @!p3 s10, s2;
	s10 =	simm.s32 $0x180;
	[sflag:s24] =	ssyncadd.s32 $0xFFFFC000  }
0x60: {  	[hbm4b:s15+s5] =	stream.strided.scatter [tilespmem:s20], [sflag:$0x8], $0x4000, s14, s5, $0x38;
	[tilespmem:$0x10200] =	vst v63  }
0x61: {  	s15 =	sshrl.u32 @!p3 s2, $0x3;
	s2 =	smov.u32 s1;
	_ =	swait.ge @!p2 [sflag:s16], $0x4000  }
0x62: {  	s1 =	simm.s32 $0x0;
	s31 =	sadd.s32 @!p3 s23, s15;
	[sflag:s16] =	ssyncset.done @!p2 $0x0  }
0x63: {  	s15 =	smov.u32 s11;
	s11 =	simm.s32 $0x9;
	[sflag:s16] =	ssyncadd.s32 @!p2 $0xFFFFC000  }
0x64: {  	[tilespmem:s10], [sflag:$0x9] =	stream.linear.gather [hbm4b:s25+s1], $0x80, $0x38;
	[tilespmem:$0x10200] =	vst v63  }
0x65: {  	_ =	swait.ge [sflag:s11], $0x80  }
0x66: {  	[sflag:s11] =	ssyncset.done $0x0  }
0x67: {  	s16 =	smov.u32 s19;
	s19 =	simm.s32 $0x1;
	[sflag:s11] =	ssyncadd.s32 $0xFFFFFF80  }
0x68: {  	[tilespmem:s20], [sflag:$0x4] =	stream.indirect.gather [hbm4b:s8+s5], $0x80, s10, s5, $0xb8;
	[tilespmem:$0x10200] =	vst v63  }
0x69: {  	s12 =	sadd.s32 $0x40, s12;
	_ =	swait.ge [sflag:s19], $0x4000  }
0x6a: {  	s28 =	smov.u32 s7;
	p0 =	por p3, p3;
	[sflag:s19] =	ssyncset.done $0x0  }
0x6b: {  	s7 =	simm.s32 @!p0 $0x5;
	s20 =	simm.s32 $0x200;
	[sflag:s19] =	ssyncadd.s32 $0xFFFFC000  }
0x6c: {  	[hbm4b:s12+s5] =	stream.strided.scatter [tilespmem:s20], [sflag:$0x5], $0x4000, s14, s5, $0x38;
	[tilespmem:$0x10200] =	vst v63  }
0x6d: {  	s17 =	sshrl.u32 @!p3 s17, $0x3;
	_ =	swait.ge @!p0 [sflag:s7], $0x4000  }
0x6e: {  	s6 =	sadd.s32 @!p3 s23, s17;
	[sflag:s7] =	ssyncset.done @!p0 $0x0  }
0x6f: {  	s17 =	simm.s32 @!p0 $0x0;
	s29 =	simm.s32 @!p0 $0x9;
	[sflag:s7] =	ssyncadd.s32 @!p0 $0xFFFFC000  }
0x70: {  	[tilespmem:s17], [sflag:$0x9] =	stream.linear.gather @!p0 [hbm4b:s21+s17], $0x80, $0x38;
	[tilespmem:$0x10200] =	vst v63  }
0x71: {  	_ =	swait.ge @!p0 [sflag:s29], $0x80  }
0x72: {  	s30 =	simm.s32 @!p0 $0x80;
	[sflag:s29] =	ssyncset.done @!p0 $0x0  }
0x73: {  	s7 =	simm.s32 @!p0 $0x200;
	s21 =	simm.s32 $0x2;
	[sflag:s29] =	ssyncadd.s32 @!p0 $0xFFFFFF80  }
0x74: {  	[tilespmem:s7], [sflag:$0x1] =	stream.indirect.gather @!p0 [hbm4b:s8+s30], $0x80, s17, s30, $0xb8;
	[tilespmem:$0x10200] =	vst v63  }
0x75: {  	_ =	swait.ge [sflag:s21], $0x4000  }
0x76: {  	s23 =	rddreg [dreg:$0x3]  }
0x77: {  	s26 =	sadd.s32 $0x4000, s26;
	s7 =	sor.u32 s23, s15  }
0x78: {  	p1 =	sne.s32 s26, $0xC8000;
	s7 =	sor.u32 s28, s7  }
0x79: {  	s25 =	simm.s32 $0x4200;
	[sflag:s21] =	ssyncset.done $0x0;
	s7 =	sshrl.u32 s7, $0x3  }
0x7a: {  	s10 =	simm.s32 @!p0 $0x6;
	[sflag:s21] =	ssyncadd.s32 $0xFFFFC000;
	s7 =	sadd.s32 s4, s7  }
0x7b: {  	[hbm4b:s7+s5] =	stream.strided.scatter [tilespmem:s25], [sflag:$0x6], $0x4000, s14, s5, $0x38;
	[tilespmem:$0x10200] =	vst v63  }
.Ltmp0:
0x7c: {  	_ =	swait.ge @!p0 [sflag:s10], $0x4000;
	(pc) =	sbr.rel @p1 .LBB2_2-.Ltmp0, $4  }
0x7d: {  	s3 =	simm.s32 @!p3 $0x4200;
	s0 =	sadd.s32 $0x200, s0;
	[sflag:s10] =	ssyncset.done @!p0 $0x0  }
0x7e: {  	s22 =	simm.s32 $0x3;
	s11 =	sand.u32 $0x7C00, s0;
	[sflag:s10] =	ssyncadd.s32 @!p0 $0xFFFFC000  }
0x7f: {  	[tilespmem:s30], [sflag:$0x9] =	stream.linear.gather @!p0 [hbm4b:s6+s17], $0x80, $0x38;
	[tilespmem:$0x10200] =	vst v63  }
0x80: {  	s19 =	sor.u32 s18, s11;
	s7 =	sand.u32 $0x200, s0;
	_ =	swait.ge @!p0 [sflag:s29], $0x80  }
0x81: {  	[sflag:s29] =	ssyncset.done @!p0 $0x0  }
0x82: {  	s4 =	rddreg [dreg:$0x6];
	[sflag:s29] =	ssyncadd.s32 @!p0 $0xFFFFFF80  }
0x83: {  	[tilespmem:s3], [sflag:$0x2] =	stream.indirect.gather @!p0 [hbm4b:s4+s30], $0x80, s30, s30, $0xb8;
	[tilespmem:$0x10200] =	vst v63  }
0x84: {  	_ =	swait.ge [sflag:s22], $0x4000  }
0x85: {  	s14 =	rddreg [dreg:$0x4]  }
0x86: {  	s3 =	sor.u32 s14, s15  }
0x87: {  	s10 =	simm.s32 $0x8200;
	s20 =	simm.s32 $0x6400;
	s3 =	sor.u32 s28, s3  }
0x88: {  	[sflag:s22] =	ssyncset.done $0x0;
	s5 =	rddreg [dreg:$0x5];
	s3 =	sshrl.u32 s3, $0x3  }
0x89: {  	[sflag:s22] =	ssyncadd.s32 $0xFFFFC000;
	s14 =	simm.s32 $0x80;
	s3 =	sadd.s32 s5, s3  }
0x8a: {  	[hbm4b:s3+s14] =	stream.strided.scatter [tilespmem:s10], [sflag:$0x7], $0x4000, s20, s14, $0x38;
	[tilespmem:$0x10200] =	vst v63  }
0x8b: {  	s3 =	simm.s32 @!p0 $0x7  }
0x8c: {  	_ =	swait.ge @!p0 [sflag:s3], $0x4000  }
0x8d: {  	[sflag:s3] =	ssyncset.done @!p0 $0x0  }
0x8e: {  	[sflag:s3] =	ssyncadd.s32 @!p0 $0xFFFFC000;
	s3 =	simm.s32 @!p0 $0x100  }
0x8f: {  	[tilespmem:s3], [sflag:$0x9] =	stream.linear.gather @!p0 [hbm4b:s31+s17], $0x80, $0x38;
	[tilespmem:$0x10200] =	vst v63  }
0x90: {  	_ =	swait.ge @!p0 [sflag:s29], $0x80  }
0x91: {  	[sflag:s29] =	ssyncset.done @!p0 $0x0  }
0x92: {  	s6 =	sor.u32 s9, s16;
	s9 =	simm.s32 @!p0 $0x8200;
	[sflag:s29] =	ssyncadd.s32 @!p0 $0xFFFFFF80  }
0x93: {  	[tilespmem:s9], [sflag:$0x3] =	stream.indirect.gather @!p0 [hbm4b:s4+s30], $0x80, s3, s30, $0xb8;
	[tilespmem:$0x10200] =	vst v63  }
0x94: {  	p1 =	seq.s32 s2, $0x0;
	_ =	swait.ge [sflag:s24], $0x4000  }
0x95: {  	s16 =	simm.s32 $0xC200;
	s6 =	sshrl.u32 s6, $0x3;
	[sflag:s24] =	ssyncset.done $0x0  }
0x96: {  	s6 =	sadd.s32 s5, s6;
	s9 =	simm.s32 @!p1 $0x8;
	[sflag:s24] =	ssyncadd.s32 $0xFFFFC000  }
0x97: {  	[hbm4b:s6+s14] =	stream.strided.scatter [tilespmem:s16], [sflag:$0x8], $0x4000, s20, s14, $0x38;
	[tilespmem:$0x10200] =	vst v63  }
0x98: {  	s13 =	sand.u32 $0xF8000, s2;
	s8 =	rddreg [dreg:$0x7];
	_ =	swait.ge @!p1 [sflag:s9], $0x4000  }
0x99: {  	s3 =	sor.u32 $0x180, s7;
	s13 =	sor.u32 s8, s13;
	[sflag:s9] =	ssyncset.done @!p1 $0x0  }
0x9a: {  	s15 =	sor.u32 s3, s13;
	[sflag:s9] =	ssyncadd.s32 @!p1 $0xFFFFC000  }
0x9b: {  	s21 =	simm.s32 $0x180;
	s6 =	sshrl.u32 s15, $0x3;
	s1 =	rddreg [dreg:$0x0]  }
0x9c: {  	s23 =	simm.s32 $0x9;
	s17 =	simm.s32 $0x0;
	s6 =	sadd.s32 s1, s6  }
0x9d: {  	[tilespmem:s21], [sflag:$0x9] =	stream.linear.gather [hbm4b:s6+s17], $0x80, $0x38;
	[tilespmem:$0x10200] =	vst v63  }
0x9e: {  	s25 =	sadd.s32 $0x40, s12;
	_ =	swait.ge [sflag:s23], $0x80  }
0x9f: {  	s26 =	simm.s32 $0x1;
	p0 =	seq.s32 s2, $0xC4000;
	[sflag:s23] =	ssyncset.done $0x0  }
0xa0: {  	s28 =	simm.s32 $0x200;
	s12 =	sxor.u32 @!p0 $0xFFFFFFFF, s0;
	[sflag:s23] =	ssyncadd.s32 $0xFFFFFF80  }
0xa1: {  	[tilespmem:s16], [sflag:$0x4] =	stream.indirect.gather [hbm4b:s4+s14], $0x80, s21, s14, $0xb8;
	[tilespmem:$0x10200] =	vst v63  }
0xa2: {  	s12 =	sand.u32 @!p0 $0x200, s12;
	s9 =	sadd.s32 @!p0 $0x4000, s2;
	_ =	swait.ge [sflag:s26], $0x4000  }
0xa3: {  	p1 =	por p0, p0;
	s9 =	sand.u32 @!p0 $0x1F8000, s9;
	[sflag:s26] =	ssyncset.done $0x0  }
0xa4: {  	s9 =	sor.u32 @!p0 s9, s12;
	s12 =	simm.s32 @!p1 $0x5;
	[sflag:s26] =	ssyncadd.s32 $0xFFFFC000  }
0xa5: {  	[hbm4b:s25+s14] =	stream.strided.scatter [tilespmem:s28], [sflag:$0x5], $0x4000, s20, s14, $0x38;
	[tilespmem:$0x10200] =	vst v63  }
0xa6: {  	s9 =	sor.u32 @!p0 s8, s9;
	_ =	swait.ge @!p1 [sflag:s12], $0x4000  }
0xa7: {  	s13 =	simm.s32 @!p1 $0x9;
	s6 =	sshrl.u32 @!p0 s9, $0x3;
	[sflag:s12] =	ssyncset.done @!p1 $0x0  }
0xa8: {  	s9 =	simm.s32 @!p1 $0x0;
	s6 =	sadd.s32 @!p0 s1, s6;
	[sflag:s12] =	ssyncadd.s32 @!p1 $0xFFFFC000  }
0xa9: {  	[tilespmem:s9], [sflag:$0x9] =	stream.linear.gather @!p1 [hbm4b:s6+s9], $0x80, $0x38;
	[tilespmem:$0x10200] =	vst v63  }
0xaa: {  	_ =	swait.ge @!p1 [sflag:s13], $0x80  }
0xab: {  	s29 =	simm.s32 $0x2;
	[sflag:s13] =	ssyncset.done @!p1 $0x0  }
0xac: {  	s12 =	simm.s32 @!p1 $0x200;
	s6 =	simm.s32 @!p1 $0x80;
	[sflag:s13] =	ssyncadd.s32 @!p1 $0xFFFFFF80  }
0xad: {  	[tilespmem:s12], [sflag:$0x1] =	stream.indirect.gather @!p1 [hbm4b:s4+s6], $0x80, s9, s6, $0xb8;
	[tilespmem:$0x10200] =	vst v63  }
0xae: {  	_ =	swait.ge [sflag:s29], $0x4000  }
0xaf: {  	s30 =	rddreg [dreg:$0x3]  }
0xb0: {  	s12 =	sor.u32 s30, s11  }
0xb1: {  	s12 =	sor.u32 s7, s12  }
0xb2: {  	[sflag:s29] =	ssyncset.done $0x0;
	s12 =	sshrl.u32 s12, $0x3  }
0xb3: {  	s31 =	simm.s32 $0x4200;
	[sflag:s29] =	ssyncadd.s32 $0xFFFFC000;
	s12 =	sadd.s32 s5, s12  }
0xb4: {  	[hbm4b:s12+s14] =	stream.strided.scatter [tilespmem:s31], [sflag:$0x6], $0x4000, s20, s14, $0x38;
	[tilespmem:$0x10200] =	vst v63  }
0xb5: {  	s15 =	sadd.s32 @!p0 $0x5000, s2;
	s12 =	sadd.s32 @!p0 $0x280, s0  }
0xb6: {  	s15 =	sand.u32 @!p0 $0x1F8000, s15;
	s12 =	sand.u32 @!p0 $0x280, s12  }
0xb7: {  	s12 =	sor.u32 @!p0 s15, s12;
	s15 =	simm.s32 @!p1 $0x6  }
0xb8: {  	s12 =	sor.u32 @!p0 s8, s12;
	_ =	swait.ge @!p1 [sflag:s15], $0x4000  }
0xb9: {  	s12 =	sshrl.u32 @!p0 s12, $0x3;
	[sflag:s15] =	ssyncset.done @!p1 $0x0  }
0xba: {  	[sflag:s15] =	ssyncadd.s32 @!p1 $0xFFFFC000;
	s12 =	sadd.s32 @!p0 s1, s12  }
0xbb: {  	[tilespmem:s6], [sflag:$0x9] =	stream.linear.gather @!p1 [hbm4b:s12+s9], $0x80, $0x38;
	[tilespmem:$0x10200] =	vst v63  }
0xbc: {  	_ =	swait.ge @!p1 [sflag:s13], $0x80  }
0xbd: {  	[sflag:s13] =	ssyncset.done @!p1 $0x0  }
0xbe: {  	s12 =	simm.s32 @!p0 $0x4200;
	[sflag:s13] =	ssyncadd.s32 @!p1 $0xFFFFFF80  }
0xbf: {  	[tilespmem:s12], [sflag:$0x2] =	stream.indirect.gather @!p1 [hbm4b:s4+s6], $0x80, s6, s6, $0xb8;
	[tilespmem:$0x10200] =	vst v63  }
0xc0: {  	_ =	swait.ge [sflag:s22], $0x4000  }
0xc1: {  	s15 =	rddreg [dreg:$0x4]  }
0xc2: {  	s2 =	sadd.s32 @!p0 $0x6000, s2;
	s0 =	sadd.s32 @!p0 $0x300, s0;
	s17 =	sor.u32 s15, s11  }
0xc3: {  	s2 =	sand.u32 @!p0 $0x1F8000, s2;
	s0 =	sand.u32 @!p0 $0x300, s0;
	s21 =	sor.u32 s7, s17  }
0xc4: {  	s0 =	sor.u32 @!p0 s2, s0;
	[sflag:s22] =	ssyncset.done $0x0;
	s7 =	sshrl.u32 s21, $0x3  }
0xc5: {  	s2 =	simm.s32 @!p1 $0x7;
	[sflag:s22] =	ssyncadd.s32 $0xFFFFC000;
	s7 =	sadd.s32 s5, s7  }
0xc6: {  	[hbm4b:s7+s14] =	stream.strided.scatter [tilespmem:s10], [sflag:$0x7], $0x4000, s20, s14, $0x38;
	[tilespmem:$0x10200] =	vst v63  }
0xc7: {  	s0 =	sor.u32 @!p0 s8, s0;
	_ =	swait.ge @!p1 [sflag:s2], $0x4000  }
0xc8: {  	s0 =	sshrl.u32 @!p0 s0, $0x3;
	[sflag:s2] =	ssyncset.done @!p1 $0x0  }
0xc9: {  	s0 =	sadd.s32 @!p0 s1, s0;
	[sflag:s2] =	ssyncadd.s32 @!p1 $0xFFFFC000;
	s2 =	simm.s32 @!p1 $0x100  }
0xca: {  	[tilespmem:s2], [sflag:$0x9] =	stream.linear.gather @!p1 [hbm4b:s0+s9], $0x80, $0x38;
	[tilespmem:$0x10200] =	vst v63  }
0xcb: {  	_ =	swait.ge @!p1 [sflag:s13], $0x80  }
0xcc: {  	[sflag:s13] =	ssyncset.done @!p1 $0x0  }
0xcd: {  	s0 =	simm.s32 @!p1 $0x8200;
	[sflag:s13] =	ssyncadd.s32 @!p1 $0xFFFFFF80  }
0xce: {  	[tilespmem:s0], [sflag:$0x3] =	stream.indirect.gather @!p1 [hbm4b:s4+s6], $0x80, s2, s6, $0xb8;
	[tilespmem:$0x10200] =	vst v63  }
0xcf: {  	s23 =	sor.u32 s3, s19;
	_ =	swait.ge [sflag:s24], $0x4000  }
0xd0: {  	s0 =	sshrl.u32 s23, $0x3;
	[sflag:s24] =	ssyncset.done $0x0  }
0xd1: {  	s25 =	simm.s32 $0x5;
	s0 =	sadd.s32 s5, s0;
	[sflag:s24] =	ssyncadd.s32 $0xFFFFC000  }
0xd2: {  	[hbm4b:s0+s14] =	stream.strided.scatter [tilespmem:s16], [sflag:$0x8], $0x4000, s20, s14, $0x38;
	[tilespmem:$0x10200] =	vst v63  }
0xd3: {  	_ =	swait.ge [sflag:s25], $0x4000  }
0xd4: {  	[sflag:s25] =	ssyncset.done $0x0  }
0xd5: {  	s26 =	simm.s32 $0x6;
	[sflag:s25] =	ssyncadd.s32 $0xFFFFC000  }
0xd6: {  	_ =	swait.ge [sflag:s26], $0x4000  }
0xd7: {  	[sflag:s26] =	ssyncset.done $0x0  }
0xd8: {  	s28 =	simm.s32 $0x7;
	[sflag:s26] =	ssyncadd.s32 $0xFFFFC000  }
0xd9: {  	_ =	swait.ge [sflag:s28], $0x4000  }
0xda: {  	[sflag:s28] =	ssyncset.done $0x0  }
0xdb: {  	s29 =	simm.s32 $0x8;
	[sflag:s28] =	ssyncadd.s32 $0xFFFFC000  }
0xdc: {  	_ =	swait.ge [sflag:s29], $0x4000  }
0xdd: {  	s30 =	rddreg [dreg:$0xd]  }
0xde: {  	s31 =	rddreg [dreg:$0xb];
	s2 =	sadd.s32 $0x1, s30  }
0xdf: {  	p0 =	sne.s32 s2, s31  }
.Ltmp1:
0xe0: {  	_ = 	snop;
	(pc) =	sbr.rel @p0 .LBB2_1-.Ltmp1, $3  }
0xe1: {  	_ =	sdelay $0x1  }
0xe2: {  	[sflag:s29] =	ssyncset.done $0x0  }
0xe3: {  	s12 =	simm.s32 $0xC200;
	[sflag:s29] =	ssyncadd.s32 $0xFFFFC000  }
0xe4: {  	_ =	sfence.sel $0x180000  }
0xe5: {  	[bflag:$0x0] =	sbarrier.arrive $0xFFFF  }
0xe6: {  	_ =	strace $0x90000047  }
0xe7: {  	s0 =	stileid.u32;
	[bflag:$0x2] =	sbarrier.arrive $0xFFFF  }
0xe8: {  	p0 =	sne.s32 s0, $0x0;
	s0 =	rddreg [dreg:$0x2]  }
0xe9: {  	s0 =	sadd.s32 @!p0 $0x100000, s0  }
0xea: {  	[sflag:s0] =	ssyncadd.tile.s32 @!p0 $0x1;
	_ =	shalt  }
.Lfunc_end2:
_tile_overlayer_lowered:
.L_overlay_start_2:
0xeb: {  	(tag) =	ssettag $0x2  }
0xec: {  	s0 =	rddreg [dreg:$0x0];
	s2 =	stileid.u32  }
0xed: {  	s1 =	rddreg [dreg:$0x1];
	p0 =	sne.s32 s2, $0x0  }
0xee: {  	s3 =	rddreg [dreg:$0x2];
	[bflag:$0x3] =	sbarrier.arrive $0xFFFF;
	s2 =	simm.s32 @!p0 $0x1C09  }
0xef: {  	[timem:s3], [sflag:s2] =	dma.local @!p0 [hbm:s0], s1  }
0xf0: {  	s0 =	simm.s32 @!p0 $0x9  }
0xf1: {  	_ =	swait.ge @!p0 [sflag:s0], s1  }
0xf2: {  	s1 =	ssub.s32 @!p0 $0x0, s1;
	[sflag:s0] =	ssyncset.done @!p0 $0x0  }
0xf3: {  	[sflag:s0] =	ssyncadd.s32 @!p0 s1  }
0xf4: {  	[bflag:$0x3] =	sbarrier.arrive $0xFFFF  }
0xf5: {  	_ =	shalt  }

// kernel: sparse-core-data-format-call.cloned.1.call-start
scs
called_computation_lowered:
.L_overlay_start_0:
0x0: {  	s2 =	sld [smem:$0x3FD9]  }
0x1: {  	s3 =	sld [smem:$0x3FFE];
	_ =	sdelay $0x1  }
0x2: {  	s1 =	srdreg.scid  }
0x3: {  	s0 =	sand.u32 $0x1, s1  }
0x4: {  	s18 =	sshll.u32 s0, $0xA;
	s2 =	sadd.s32 s3, s2  }
0x5: {  	s2 =	sadd.s32 s2, s18  }
0x6: {  	[smem:$0x3FC6] =	sst s2  }
0x7: {  	_ = 	snop  }
0x8: {  	s2 =	sld [smem:$0x3FD0];
	(tm) =	ssettm $0x1  }
0x9: {  	s19 =	sld [smem:$0x3FFB];
	_ =	sdelay $0x3  }
0xa: {  	_ =	strace s19  }
0xb: {  	s3 =	sld [smem:$0x3FFC];
	_ =	sdelay $0x3  }
0xc: {  	_ =	strace s3  }
0xd: {  	s3 =	sld [smem:$0x3FFD];
	_ =	sdelay $0x3  }
0xe: {  	_ =	strace s3  }
0xf: {  	_ =	strace $0x8FFFFFFF  }
0x10: {  	s20 =	sld [smem:$0x3FDB];
	_ =	sdelay $0x1  }
0x11: {  	s4 =	simm.s32 $_scs_section_size  }
0x12: {  	s5 =	simm.s32 $_size__tile_overlayer_lowered;
	s6 =	simm.s32 $_tile_overlayer_lowered  }
0x13: {  	s23 =	simm.s32 $0x1BFF;
	s22 =	sshll.u32 s6, $0x1;
	s3 =	sadd.s32 s4, s20  }
0x14: {  	s7 =	simm.s32 $0x0;
	s21 =	sshll.u32 s5, $0x1;
	s5 =	sadd.s32 s22, s3  }
0x15: {  	[timem:s7], [sflag:s23] =	dma.local [hbm:s5], s21  }
0x16: {  	_ =	swait.ge [sflag:s23], s21  }
0x17: {  	s4 =	ssub.s32 $0x0, s21;
	[sflag:s23] =	ssyncset.done $0x0  }
0x18: {  	[sflag:s23] =	ssyncadd.s32 s4;
	_ =	sdelay $0x1  }
0x19: {  	s24 =	simm.s32 $0x1B8B  }
0x1a: {  	_ =	swait.ge [sflag:s24], $0x1  }
0x1b: {  	[sflag:s24] =	ssyncset.done $0x0  }
0x1c: {  	s26 =	simm.s32 $0x1B8E;
	s25 =	sld [smem:$0x3FFE];
	[sflag:s24] =	ssyncadd.s32 $0xFFFFFFFF  }
0x1d: {  	s27 =	simm.s32 $execute0_lowered;
	[smem:$0x3FD2] =	sst s26  }
0x1e: {  	s5 =	sshll.u32 s27, $0x1;
	_ =	strace $0x80000049;
	[dreg:$0x1] =	wrdreg $0xFFFFFFFF  }
0x1f: {  	s28 =	simm.s32 $_size_execute0_lowered;
	s3 =	sadd.s32 s3, s5;
	[dreg:$0x0] =	wrdreg $0x0  }
0x20: {  	s5 =	sshll.u32 s28, $0x1;
	[dreg:$0x2] =	wrdreg s3  }
0x21: {  	[dreg:$0x3] =	wrdreg s5  }
0x22: {  	[dreg:$0x4] =	wrdreg $0xC0  }
0x23: {  	_ =	task [dreg:s7], $0x5FFFF  }
0x24: {  	[dreg:$0x1] =	wrdreg $0xFFFFFFFF  }
0x25: {  	[dreg:$0x0] =	wrdreg $0x60  }
0x26: {  	[dreg:$0x2] =	wrdreg s25  }
0x27: {  	[dreg:$0x3] =	wrdreg s2  }
0x28: {  	[dreg:$0x4] =	wrdreg $0x9  }
0x29: {  	_ =	task.clear_ibuf [dreg:s7], $0x5FFFF;
	_ =	strace $0x90000049  }
0x2a: {  	s29 =	simm.s32 $0x9;
	_ =	strace $0x8000004B  }
0x2b: {  	_ =	swait.ge [sflag:s29], $0x1  }
0x2c: {  	[sflag:s29] =	ssyncadd.s32 $0xFFFFFFFF  }
0x2d: {  	_ =	strace $0x9000004B  }
0x2e: {  	_ =	sfence  }
0x2f: {  	s30 =	sld [smem:$0x0];
	_ =	sdelay $0x2  }
0x30: {  	s31 =	sshll.u32 s1, $0xD;
	s1 =	sshrl.u32 s1, $0x2  }
0x31: {  	s3 =	sand.u32 $0x4000, s31;
	s1 =	sadd.s32 s1, s30  }
0x32: {  	s0 =	sor.u32 s3, s0;
	s1 =	sshll.u32 s1, $0x11  }
0x33: {  	s0 =	sor.u32 s1, s0  }
0x34: {  	s0 =	sadd.s32 $0x8F2B, s0  }
0x35: {  	[sflag:s0] =	ssyncadd.remote.s32 $0x1  }
0x36: {  	_ =	sfence.sel $0xFFFF  }
0x37: {  	[dreg:$0x0] =	wrdreg $0xFFFFFFFF;
	(pc) =	sbr.abs _section_cstart, $3  }
0x38: {  	[dreg:$0x1] =	wrdreg $0xFFFFFFFF  }
0x39: {  	_ =	task.clear_ibuf [dreg:s7], $0x2FFFF;
	_ =	strace $0x9FFFFFFF  }
0x3a: {  	(tm) =	ssettm $0x7FFFFFFF  }
0x3b: {  	_ =	shalt  }
tec
execute0_lowered:
.L_overlay_start_1:
0x0: {  	(tag) =	ssettag $0x1  }
0x1: {  	s0 =	srdreg.scid  }
0x2: {  	s1 =	sshll.u32 s0, $0x4  }
0x3: {  	s0 =	stileid.u32;
	s1 =	sand.u32 $0x10, s1  }
0x4: {  	s1 =	sor.u32 s0, s1  }
0x5: {  	s6 =	rddreg [dreg:$0x0];
	s4 =	simm.s32 $0x1;
	s2 =	sshll.u32 s1, $0x7  }
0x6: {  	s7 =	simm.s32 $0x2;
	s12 =	simm.s32 $0x0;
	s1 =	ssub.s32 $0x1000, s2  }
0x7: {  	s8 =	simm.s32 $0x8000;
	s13 =	simm.s32 $0x0;
	s3 =	sand.u32 $0xF80, s1  }
0x8: {  	s9 =	simm.s32 $0x0;
	s5 =	sshrl.u32 s1, $0xC;
	p0 =	sne.s32 s3, $0x0  }
.Ltmp0:
0x9: {  	s1 =	rddreg [dreg:$0x2];
	s4 =	simm.s32 @!p0 $0x0;
	(pc) =	sbr.rel .LBB1_1-.Ltmp0, $4  }
0xa: {  	s11 =	simm.s32 $0x0;
	s3 =	rddreg [dreg:$0x1];
	s5 =	sadd.s32 s4, s5  }
0xb: {  	_ =	strace $0x8000004A;
	s4 =	simm.s32 $0x1;
	s5 =	smul.u32 $0xC8, s5  }
0xc: {  	s6 =	sadd.s32 $0x800, s6;
	s10 =	smov.u32 s2;
	[sflag:s4] =	ssyncpa.u1 $0x0  }
0xd: {  	p0 =	por $0x0, $0x0;
	[sflag:s7] =	ssyncpa.u1 $0x0;
	s7 =	sor.u32 $0x1, s5  }
.LBB1_4:
0xe: {  	s16 =	sshll.u32 s13, $0x3;
	s17 =	sand.u32 $0x78, s13  }
0xf: {  	s30 =	sand.u32 $0x7E00, s13;
	s12 =	sshll.u32 s12, $0xF;
	s16 =	sand.u32 $0xC00, s16  }
0x10: {  	[tilespmem:s15+$0x810 ss:$0x81] =	vst.msk $0xffff, v2;
	s31 =	sand.u32 $0x7, s13;
	s16 =	sor.u32 s17, s16;
	s17 =	sadd.s32 s3, s30  }
0x11: {  	[tilespmem:s15+$0x1020 ss:$0x81] =	vst.msk $0xffff, v0;
	s13 =	sshll.u32 s31, $0x12;
	s12 =	sadd.s32 s12, s17;
	s16 =	sshrl.u32 s16, $0x3  }
0x12: {  	[tilespmem:s15+$0x0 ss:$0x81] =	vst.msk $0xffff, v1;
	s13 =	sor.u32 $0x400, s13;
	s12 =	sadd.s32 s16, s12  }
0x13: {  	[hbm4b:s12+s13] =	stream.strided.scatter [tilespmem:s14], [sflag:$0x2], $0x2000, s8, s13, $0x20;
	[tilespmem:$0x8080] =	vst v63  }
.LBB1_5:
0x14: {  	s14 =	sadd.s32 $0x1, s9  }
0x15: {  	s12 =	sadd.s32 $0x1000, s10;
	s16 =	smov.u32 s10;
	p2 =	sgt.s32 s14, $0xC7  }
0x16: {  	s16 =	smov.u32 @p2 s12  }
0x17: {  	s14 =	simm.s32 @p2 $0x0;
	p2 =	sgt.s32 s16, $0xFFF  }
0x18: {  	s16 =	smov.u32 @p2 s2;
	p2 =	sne.s32 s11, s7  }
.Ltmp1:
0x19: {  	p1 =	slt.u32 s11, $0x2;
	(pc) =	sbr.rel @!p2 .LBB1_6-.Ltmp1, $4  }
0x1a: {  	s15 =	simm.s32 @!p1 $0x2  }
0x1b: {  	s13 =	smov.u32 s10;
	p0 =	por !p0, !p0;
	_ =	swait.ge @!p1 [sflag:s15], $0x2000  }
0x1c: {  	s12 =	smov.u32 s9;
	[sflag:s15] =	ssyncset.done @!p1 $0x0;
	s9 =	smov.u32 s14  }
0x1d: {  	s11 =	sadd.s32 $0x1, s11;
	[sflag:s15] =	ssyncadd.s32 @!p1 $0xFFFFE000;
	s10 =	smov.u32 s16  }
.LBB1_1:
0x1e: {  	p1 =	sge.u32 s11, s5  }
0x1f: {  	s14 =	sand.u32 @!p1 $0x1FFFFFF, s9  }
0x20: {  	s15 =	smulhi.u32 @!p1 $0x147AE15, s14;
	_ =	sdelay $0x1  }
0x21: {  	s15 =	smul.u32 @!p1 $0xC8, s15  }
0x22: {  	s16 =	sxor.u32 @!p1 $0xFFFFFFFF, s11;
	s17 =	smul.u32 @!p1 $0xC80, s10  }
0x23: {  	s31 =	sadd.s32 $0xFFFFFFFF, s11;
	s16 =	sshll.u32 @!p1 s16, $0xD;
	s14 =	ssub.s32 @!p1 s14, s15  }
0x24: {  	s15 =	sand.u32 @!p1 $0x2000, s16;
	s16 =	sadd.s32 @!p1 s6, s17;
	s14 =	sshll.u32 @!p1 s14, $0x4  }
0x25: {  	s17 =	simm.s32 @!p1 $0x6400;
	s14 =	sadd.s32 @!p1 s14, s16;
	s16 =	simm.s32 @!p1 $0x40  }
0x26: {  	[tilespmem:s15], [sflag:$0x1] =	stream.strided.gather @!p1 [hbm4b:s14+s16], $0x2000, s17, s16, $0x38;
	[tilespmem:$0x8080] =	vst v63  }
0x27: {  	p1 =	sge.u32 s31, s5  }
.Ltmp2:
0x28: {  	_ = 	snop;
	(pc) =	sbr.rel @p1 .LBB1_5-.Ltmp2, $1  }
0x29: {  	_ =	sdelay $0x3  }
0x2a: {  	s14 =	simm.s32 $0x1  }
0x2b: {  	_ =	swait.ge [sflag:s4], $0x2000;
	s14 =	simm.s32 @!p0 $0x0  }
0x2c: {  	[sflag:s4] =	ssyncset.done $0x0;
	s15 =	sshll.u32 s14, $0xD  }
0x2d: {  	[sflag:s4] =	ssyncadd.s32 $0xFFFFE000;
	s18 =	sor.u32 $0x20, s15  }
0x2e: {  	s14 =	smul.u32 $0x8100, s14;
	v3 =	vld [tilespmem:s18+$0x10]  }
0x2f: {  	s30 =	sand.u32 $0x1, s11;
	v2 =	vld [tilespmem:s18+$0xFFFFFFF0]  }
0x30: {  	s15 =	smul.u32 $0x8100, s30;
	s14 =	sshrl.u32 s14, $0x2;
	v0 =	vld [tilespmem:s18+$0x0]  }
0x31: {  	v1 =	vld [tilespmem:s18+$0xFFFFFFE0];
	s16 =	sor.u32 $0x4000, s14  }
0x32: {  	s31 =	sshrl.u32 s15, $0x2;
	s15 =	sadd.s32 $0x0, s16  }
0x33: {  	s17 =	simm.s32 $0x4;
	s18 =	sadd.s32 $0x40, s18;
	s14 =	sor.u32 $0x4000, s31;
	[tilespmem:s15+$0x1830 ss:$0x81] =	vst.msk $0xffff, v3  }
.LBB1_3:
0x34: {  	v3 =	vld [tilespmem:s18+$0x10];
	p1 =	sne.s32 s17, $0x1FC;
	[tilespmem:s15+$0x810 ss:$0x81] =	vst.msk $0xffff, v2;
	s19 =	smov.u32 s17;
	s17 =	sadd.s32 $0x4, s17  }
.Ltmp3:
0x35: {  	v2 =	vld [tilespmem:s18+$0xFFFFFFF0];
	[tilespmem:s15+$0x1020 ss:$0x81] =	vst.msk $0xffff, v0;
	(pc) =	sbr.rel @p1 .LBB1_3-.Ltmp3, $4  }
0x36: {  	v0 =	vld [tilespmem:s18+$0x0];
	[tilespmem:s15+$0x0 ss:$0x81] =	vst.msk $0xffff, v1  }
0x37: {  	s15 =	sshra.s32 s19, $0x2;
	v1 =	vld [tilespmem:s18+$0xFFFFFFE0]  }
0x38: {  	s15 =	sadd.s32 s15, s16  }
0x39: {  	s18 =	sadd.s32 $0x40, s18;
	[tilespmem:s15+$0x1830 ss:$0x81] =	vst.msk $0xffff, v3  }
.Ltmp4:
0x3a: {  	_ = 	snop;
	(pc) =	sbr.rel .LBB1_4-.Ltmp4, $1  }
0x3b: {  	_ =	sdelay $0x3  }
.LBB1_6:
0x3c: {  	_ =	sfence.sel $0x180000  }
0x3d: {  	s2 =	simm.s32 $0x1;
	[bflag:$0x0] =	sbarrier.arrive $0xFFFF  }
0x3e: {  	s31 =	simm.s32 $0x2;
	[sflag:s2] =	ssyncpa.u1 $0x1  }
0x3f: {  	[sflag:s31] =	ssyncpa.u1 $0x1  }
0x40: {  	p0 =	sne.s32 s0, $0x0;
	_ =	strace $0x9000004A  }
0x41: {  	s0 =	sadd.s32 @!p0 $0x100000, s1;
	[bflag:$0x2] =	sbarrier.arrive $0xFFFF  }
0x42: {  	[sflag:s0] =	ssyncadd.tile.s32 @!p0 $0x1;
	_ =	shalt  }
.Lfunc_end1:
_tile_overlayer_lowered:
.L_overlay_start_2:
0x43: {  	(tag) =	ssettag $0x2  }
0x44: {  	s0 =	rddreg [dreg:$0x0];
	s2 =	stileid.u32  }
0x45: {  	s1 =	rddreg [dreg:$0x1];
	p0 =	sne.s32 s2, $0x0  }
0x46: {  	s3 =	rddreg [dreg:$0x2];
	[bflag:$0x3] =	sbarrier.arrive $0xFFFF;
	s2 =	simm.s32 @!p0 $0x1C01  }
0x47: {  	[timem:s3], [sflag:s2] =	dma.local @!p0 [hbm:s0], s1  }
0x48: {  	s0 =	simm.s32 @!p0 $0x1  }
0x49: {  	_ =	swait.ge @!p0 [sflag:s0], s1  }
0x4a: {  	s1 =	ssub.s32 @!p0 $0x0, s1;
	[sflag:s0] =	ssyncset.done @!p0 $0x0  }
0x4b: {  	[sflag:s0] =	ssyncadd.s32 @!p0 s1  }
0x4c: {  	[bflag:$0x3] =	sbarrier.arrive $0xFFFF  }
0x4d: {  	_ =	shalt  }

</sc_bundles>
